<compile_context>
chip_gen: v7x
topology: tpu7x:2x2x1
jax: 0.10.2.dev20260603
libtpu: 0.0.44.dev20260713+nightly
codegen_flags: <defaults>
</compile_context>

<pallas_src>
import functools

import jax
import jax.numpy as jnp
from jax import lax
from jax.experimental import pallas as pl
from jax.experimental.pallas import tpu as pltpu
from jax.experimental.pallas import tpu_sc as plsc

F32 = jnp.float32
I32 = jnp.int32

B = 4
HW = 16384
NPRE = 500
NSLOT = 512


def _dense_stack(bev_feats, p):
    def conv3x3(x, w, b):
        out = lax.conv_general_dilated(
            x, w, (1, 1), 'SAME', dimension_numbers=('NCHW', 'OIHW', 'NCHW'))
        return out + b[None, :, None, None]

    def bn(x, g, b, eps=1e-5):
        mean = x.mean(axis=(0, 2, 3), keepdims=True)
        var = x.var(axis=(0, 2, 3), keepdims=True)
        return ((x - mean) / jnp.sqrt(var + eps) * g[None, :, None, None]
                + b[None, :, None, None])

    def head_fwd(x, i):
        h = conv3x3(x, p['h%d_w1' % i], p['h%d_b1' % i])
        h = jax.nn.relu(bn(h, p['h%d_g1' % i], p['h%d_be1' % i]))
        return conv3x3(h, p['h%d_w2' % i], p['h%d_b2' % i])

    x = jax.nn.relu(bn(conv3x3(bev_feats, p['sw'], p['sb']), p['sg'], p['sbe']))
    center = head_fwd(x, 0)
    center_z = head_fwd(x, 1)
    dim_log = head_fwd(x, 2)
    rot = head_fwd(x, 3)
    hm = jax.nn.sigmoid(head_fwd(x, 4))
    hmax = lax.reduce_window(hm, -jnp.inf, lax.max, (1, 1, 3, 3),
                             (1, 1, 1, 1), 'SAME')
    heat = hm * (hmax == hm).astype(hm.dtype)
    regs = jnp.concatenate([center, center_z, dim_log, rot], axis=1)
    heat8 = jnp.concatenate(
        [heat.reshape(B, 3, HW), jnp.full((B, 5, HW), -1.0, F32)], axis=1)
    return regs.reshape(B, 8, 128, 128), heat8


def _k4_body(heat_ref, sc_ref, ind_ref, work_ref):
    for t in range(24):
        f0 = t * 2048
        c, off = f0 // HW, f0 % HW
        r, col = f0 // 6144, f0 % 6144
        work_ref[r:r + 1, col:col + 2048] = heat_ref[0, c:c + 1, off:off + 2048]
    fiota = (lax.broadcasted_iota(I32, (8, 6144), 0) * 6144
             + lax.broadcasted_iota(I32, (8, 6144), 1)).astype(F32)
    lane = lax.broadcasted_iota(I32, (1, 1, NSLOT), 2)
    sc_ref[...] = jnp.full((1, 1, NSLOT), -1e9, F32)
    ind_ref[...] = jnp.zeros((1, 1, NSLOT), I32)

    def body(i, _):
        wv = work_ref[...]
        m = jnp.max(wv)
        fi = jnp.min(jnp.where(wv == m, fiota, 1e9))
        sc_ref[...] = jnp.where(lane == i, m, sc_ref[...])
        ind_ref[...] = jnp.where(lane == i, fi.astype(I32), ind_ref[...])
        work_ref[...] = jnp.where(fiota == fi, -1.0, wv)
        return 0

    lax.fori_loop(0, NPRE, body, 0)


def _sc_gather(regs, inds):
    info = plsc.get_sparse_core_info()
    nc = info.num_cores
    mesh = plsc.VectorSubcoreMesh(core_axis_name="c", subcore_axis_name="s")

    @functools.partial(
        pl.kernel,
        out_type=jax.ShapeDtypeStruct((B, 8, NSLOT), F32),
        mesh=mesh,
        scratch_types=[
            pltpu.VMEM((128, 128), F32),
            pltpu.VMEM((NSLOT,), I32),
            pltpu.VMEM((NSLOT,), F32),
        ],
        compiler_params=pltpu.CompilerParams(needs_layout_passes=False),
    )
    def k(regs_hbm, inds_hbm, out_hbm, plane_v, idx_v, row_v):
        wid = lax.axis_index("s") * nc + lax.axis_index("c")
        b = wid // 8
        ch = wid % 8
        pltpu.sync_copy(inds_hbm.at[b], idx_v)
        pltpu.sync_copy(regs_hbm.at[b, ch], plane_v)
        for t in range(NSLOT // 16):
            ind16 = idx_v[pl.ds(t * 16, 16)]
            spat16 = jnp.bitwise_and(ind16, 16383)
            r16 = lax.shift_right_logical(spat16, 7)
            c16 = jnp.bitwise_and(spat16, 127)
            row_v[pl.ds(t * 16, 16)] = plsc.load_gather(plane_v, [r16, c16])
        pltpu.sync_copy(row_v, out_hbm.at[b, ch])

    return k(regs, inds)


_DOT = (((1,), (0,)), ((), ()))


def _k6_body(m_ref, sc_ref, vc_ref, sup_ref, out_ref, k_ref):
    sc = sc_ref[0]
    vc = vc_ref[0]
    k_ref[...] = jnp.ones((8, NSLOT), F32)
    lane8 = lax.broadcasted_iota(I32, (8, NSLOT), 1)

    def scan_body(i, _):
        srow = sup_ref[0, pl.ds(i, 1), :]
        kv = k_ref[...]
        gate = jnp.sum(jnp.where(lane8 == i, kv * vc, 0.0), axis=1,
                       keepdims=True)
        k_ref[...] = kv * (1.0 - gate * srow)
        return 0

    lax.fori_loop(0, NSLOT, scan_body, 0)

    keep = jnp.max(k_ref[...] * vc, axis=0, keepdims=True)
    fs0 = jnp.where(keep > 0.5, sc, 0.0)

    ii = (lax.broadcasted_iota(I32, (NSLOT, NSLOT), 0)
          == lax.broadcasted_iota(I32, (NSLOT, NSLOT), 1)).astype(F32)
    hi = jax.lax.Precision.HIGHEST
    _dott = (((1,), (1,)), ((), ()))

    def cols(rows):
        return lax.dot_general(ii, rows, _dott, precision=hi,
                               preferred_element_type=F32)
    lanef = lax.broadcasted_iota(I32, (1, NSLOT), 1).astype(F32)
    lanei = lax.broadcasted_iota(I32, (1, NSLOT), 1)

    def sel_body(i, carry):
        fs, ordv = carry
        m = jnp.max(fs)
        fi = jnp.min(jnp.where(fs == m, lanef, 1e9))
        ordv = jnp.where(lanei == i, fi, ordv)
        fs = jnp.where(lanef == fi, -1.0, fs)
        return fs, ordv

    _, ordv = lax.fori_loop(0, NPRE, sel_body,
                            (fs0, jnp.zeros((1, NSLOT), F32)))
    ordc = cols(ordv)
    perm = (ordc == lanef).astype(F32)
    m = m_ref[0]
    rows16 = jnp.concatenate(
        [m[0:7], fs0, m[8:9], jnp.zeros((7, NSLOT), F32)], axis=0)
    mat16 = cols(rows16)
    res = lax.dot_general(perm, mat16, _DOT, precision=hi,
                          preferred_element_type=F32)
    mask = (res[:, 7:8] > 0.0).astype(F32)
    out_ref[0] = jnp.concatenate(
        [res[:, 0:7] * mask, res[:, 7:16]], axis=1)


def kernel(bev_feats, params):
    regs, heat8 = _dense_stack(bev_feats, params)

    arb1 = pltpu.CompilerParams(dimension_semantics=("arbitrary",))
    scores3, inds3 = pl.pallas_call(
        _k4_body,
        grid=(B,),
        in_specs=[pl.BlockSpec((1, 8, HW), lambda b: (b, 0, 0))],
        out_specs=[
            pl.BlockSpec((1, 1, NSLOT), lambda b: (b, 0, 0)),
            pl.BlockSpec((1, 1, NSLOT), lambda b: (b, 0, 0)),
        ],
        out_shape=[
            jax.ShapeDtypeStruct((B, 1, NSLOT), F32),
            jax.ShapeDtypeStruct((B, 1, NSLOT), I32),
        ],
        scratch_shapes=[pltpu.VMEM((8, 6144), F32)],
        compiler_params=arb1,
    )(heat8)

    feats = _sc_gather(regs, inds3.reshape(B, NSLOT))

    scores = scores3.reshape(B, NSLOT)
    inds = inds3.reshape(B, NSLOT)
    spat = inds % HW
    clsi = inds // HW
    ys = (spat // 128).astype(F32)
    xs = (spat % 128).astype(F32)
    ctr0, ctr1, cz = feats[:, 0], feats[:, 1], feats[:, 2]
    dims = jnp.exp(feats[:, 3:6])
    ang = jnp.arctan2(feats[:, 7], feats[:, 6])
    xs = (xs + ctr0) * 8 * 0.1 + 0.0
    ys = (ys + ctr1) * 8 * 0.1 + (-40.0)
    x1 = xs - dims[:, 0] / 2.0
    y1 = ys - dims[:, 1] / 2.0
    b2d = jnp.stack([x1, y1, x1 + dims[:, 0], y1 + dims[:, 1]], axis=-1)
    lt = jnp.maximum(b2d[:, :, None, :2], b2d[:, None, :, :2])
    rb = jnp.minimum(b2d[:, :, None, 2:], b2d[:, None, :, 2:])
    wh = jnp.clip(rb - lt, 0.0, None)
    inter = wh[..., 0] * wh[..., 1]
    area = (b2d[..., 2] - b2d[..., 0]) * (b2d[..., 3] - b2d[..., 1])
    union = area[:, :, None] + area[:, None, :] - inter
    iou = inter / jnp.maximum(union, 1e-6)
    idx = jnp.arange(NSLOT)
    sup = ((iou > 0.1) & (idx[None, None, :] > idx[None, :, None])) \
        .astype(F32)
    pr = jnp.asarray((-10.0, -50.0, -10.0, 80.4, 50.0, 10.0), F32)
    c3 = jnp.stack([xs, ys, cz], axis=-1)
    rmask = (jnp.all(c3 >= pr[:3], axis=-1) & jnp.all(c3 <= pr[3:], axis=-1))
    valid = (scores > 0.1) & rmask
    r8 = jnp.arange(8)
    vc = ((clsi[:, None, :] == r8[None, :, None]) & valid[:, None, :]
          & (r8[None, :, None] < 3)).astype(F32)
    mat = jnp.stack(
        [xs, ys, cz, dims[:, 0], dims[:, 1], dims[:, 2], ang,
         jnp.zeros_like(xs), clsi.astype(F32)] + [jnp.zeros_like(xs)] * 7,
        axis=1)

    out = pl.pallas_call(
        _k6_body,
        grid=(B,),
        in_specs=[
            pl.BlockSpec((1, 16, NSLOT), lambda b: (b, 0, 0)),
            pl.BlockSpec((1, 1, NSLOT), lambda b: (b, 0, 0)),
            pl.BlockSpec((1, 8, NSLOT), lambda b: (b, 0, 0)),
            pl.BlockSpec((1, NSLOT, NSLOT), lambda b: (b, 0, 0)),
        ],
        out_specs=pl.BlockSpec((1, NSLOT, 16), lambda b: (b, 0, 0)),
        out_shape=jax.ShapeDtypeStruct((B, NSLOT, 16), F32),
        scratch_shapes=[pltpu.VMEM((8, NSLOT), F32)],
        compiler_params=arb1,
    )(mat, scores3, vc, sup)

    rois = out[:, :NPRE, 0:7]
    roi_scores = out[:, :NPRE, 7]
    roi_labels = out[:, :NPRE, 8].astype(I32)
    return rois, roi_scores, roi_labels

# --- scband reference (transcript-rebuilt; emitter-appended) ---
"""Pipeline reference for scband-rpnmodule-57466662420868 (READ-ONLY COPY).

The authoritative reference and input builder live on the scoring server;
editing this copy changes nothing except your own understanding.
"""

import jax, jax.numpy as jnp
import numpy as np

NUM_CLASS = 3
NMS_PRE = 500
SCORE_THR = 0.1
IOU_THR = 0.1
STRIDE = 8
VOXEL = (0.1, 0.1, 0.15)
PCR = (0.0, -40.0, -3.0, 70.4, 40.0, 1.0)
POST_RANGE = (-10.0, -50.0, -10.0, 80.4, 50.0, 10.0)


def conv3x3(x, w, b):
    out = jax.lax.conv_general_dilated(x, w, (1, 1), 'SAME', dimension_numbers=('NCHW', 'OIHW', 'NCHW'))
    return out + b[None, :, None, None]


def bn(x, g, b, eps=1e-5):
    mean = x.mean(axis=(0, 2, 3), keepdims=True)
    var = x.var(axis=(0, 2, 3), keepdims=True)
    return (x - mean) / jnp.sqrt(var + eps) * g[None, :, None, None] + b[None, :, None, None]


def head_fwd(x, p, i):
    h = conv3x3(x, p['h%d_w1' % i], p['h%d_b1' % i])
    h = jax.nn.relu(bn(h, p['h%d_g1' % i], p['h%d_be1' % i]))
    return conv3x3(h, p['h%d_w2' % i], p['h%d_b2' % i])


def maxpool3x3(x):
    return jax.lax.reduce_window(x, -jnp.inf, jax.lax.max, (1, 1, 3, 3), (1, 1, 1, 1), 'SAME')


def gather_feat(feat, spat):
    B, C, H, W = feat.shape
    f = feat.reshape(B, C, H * W).transpose(0, 2, 1)
    return jnp.take_along_axis(f, spat[:, :, None], axis=1)


def pairwise_iou(b):
    lt = jnp.maximum(b[:, None, :2], b[None, :, :2])
    rb = jnp.minimum(b[:, None, 2:], b[None, :, 2:])
    wh = jnp.clip(rb - lt, 0.0, None)
    inter = wh[..., 0] * wh[..., 1]
    area = (b[:, 2] - b[:, 0]) * (b[:, 3] - b[:, 1])
    union = area[:, None] + area[None, :] - inter
    return inter / jnp.maximum(union, 1e-6)


def nms_keep(boxes2d, scores):
    K = scores.shape[0]
    order = jnp.argsort(-scores)
    b = boxes2d[order]
    ious = pairwise_iou(b)
    idx = jnp.arange(K)
    sup = (ious > IOU_THR) & (idx[None, :] > idx[:, None])

    def body(keep, inp):
        i, sup_row = inp
        keep = jnp.where(keep[i], keep & (~sup_row), keep)
        return keep, None

    keep_sorted, _ = jax.lax.scan(body, jnp.ones((K,), dtype=bool), (idx, sup))
    return jnp.zeros((K,), dtype=bool).at[order].set(keep_sorted)


def multiclass_nms(boxes2d, nms_scores, class_ids, valid):
    keep_any = jnp.zeros(nms_scores.shape[0], dtype=bool)
    for c in range(NUM_CLASS):
        vc = valid & (class_ids == c)
        sc = jnp.where(vc, nms_scores, -1e9)
        kc = nms_keep(boxes2d, sc) & vc
        keep_any = keep_any | kc
    return keep_any


def _forward(bev_feats, p):
    x = jax.nn.relu(bn(conv3x3(bev_feats, p['sw'], p['sb']), p['sg'], p['sbe']))
    center = head_fwd(x, p, 0)
    center_z = head_fwd(x, p, 1)
    dim = jnp.exp(head_fwd(x, p, 2))
    rot = head_fwd(x, p, 3)
    hm = jax.nn.sigmoid(head_fwd(x, p, 4))
    hmax = maxpool3x3(hm)
    heat = hm * (hmax == hm).astype(hm.dtype)
    B, C, H, W = heat.shape
    scores, inds = jax.lax.top_k(heat.reshape(B, -1), NMS_PRE)
    class_ids = inds // (H * W)
    spat = inds % (H * W)
    ys = (spat // W).astype(jnp.float32)
    xs = (spat % W).astype(jnp.float32)
    ctr = gather_feat(center, spat)
    cz = gather_feat(center_z, spat)[..., 0]
    dims = gather_feat(dim, spat)
    rots = gather_feat(rot, spat)
    angle = jnp.arctan2(rots[..., 1], rots[..., 0])
    xs = (xs + ctr[..., 0]) * STRIDE * VOXEL[0] + PCR[0]
    ys = (ys + ctr[..., 1]) * STRIDE * VOXEL[1] + PCR[1]
    boxes = jnp.stack([xs, ys, cz, dims[..., 0], dims[..., 1], dims[..., 2], angle], axis=-1)
    x1 = xs - dims[..., 0] / 2.0
    y1 = ys - dims[..., 1] / 2.0
    boxes2d = jnp.stack([x1, y1, x1 + dims[..., 0], y1 + dims[..., 1]], axis=-1)
    nms_scores = jax.nn.sigmoid(scores)
    pr = jnp.asarray(POST_RANGE, dtype=jnp.float32)
    centers3 = jnp.stack([xs, ys, cz], axis=-1)
    range_mask = jnp.all(centers3 >= pr[:3], axis=-1) & jnp.all(centers3 <= pr[3:], axis=-1)
    valid = (scores > SCORE_THR) & range_mask
    keep = jax.vmap(multiclass_nms)(jax.lax.stop_gradient(boxes2d), jax.lax.stop_gradient(nms_scores), class_ids, valid)
    final_scores = jnp.where(keep, scores, 0.0)
    order = jnp.argsort(-jax.lax.stop_gradient(final_scores), axis=1)
    rois = jnp.take_along_axis(boxes, order[:, :, None], axis=1)
    roi_scores = jnp.take_along_axis(final_scores, order, axis=1)
    roi_labels = jnp.take_along_axis(class_ids, order, axis=1)
    rois = rois * (roi_scores > 0)[..., None].astype(rois.dtype)
    return rois, roi_scores, roi_labels


def setup_inputs(seed: int = 0):
    key = jax.random.key(seed)
    ks = jax.random.split(key, 16)
    B, Cin, H, W = 4, 256, 128, 128
    Cs = 64
    bev = jax.random.normal(ks[0], (B, Cin, H, W), dtype=jnp.float32)

    def conv_w(k, co, ci):
        return jax.random.normal(k, (co, ci, 3, 3), dtype=jnp.float32) * (2.0 / (ci * 9)) ** 0.5

    p = {}
    p['sw'] = conv_w(ks[1], Cs, Cin)
    p['sb'] = jnp.zeros((Cs,), jnp.float32)
    p['sg'] = jnp.ones((Cs,), jnp.float32)
    p['sbe'] = jnp.zeros((Cs,), jnp.float32)
    outs = [2, 1, 3, 2, NUM_CLASS]
    ki = 2
    for i, oc in enumerate(outs):
        p['h%d_w1' % i] = conv_w(ks[ki], Cs, Cs)
        ki += 1
        p['h%d_b1' % i] = jnp.zeros((Cs,), jnp.float32)
        p['h%d_g1' % i] = jnp.ones((Cs,), jnp.float32)
        p['h%d_be1' % i] = jnp.zeros((Cs,), jnp.float32)
        p['h%d_w2' % i] = conv_w(ks[ki], oc, Cs)
        ki += 1
        p['h%d_b2' % i] = jnp.zeros((oc,), jnp.float32)
    return {'bev_feats': bev, 'params': p}


def reference(bev_feats, params):
    return _forward(bev_feats, params)

if __name__ == "__main__":
    import jax
    _d = setup_inputs()
    print(jax.jit(kernel)(*tuple(_d.values())))

</pallas_src>

<mosaic_0001>
#map = affine_map<(d0, d1) -> (0, 0, 0, 0)>
#map1 = affine_map<(d0, d1) -> (0, 0)>
#map2 = affine_map<(d0, d1) -> (0, 0, 0)>
module attributes {stable_mosaic.version = 14 : i64} {
  func.func @k(%arg0: i32, %arg1: i32, %arg2: memref<4x8x128x128xf32, #tpu.memory_space<hbm>>, %arg3: memref<4x512xi32, #tpu.memory_space<hbm>>, %arg4: memref<4x8x512xf32, #tpu.memory_space<hbm>>, %arg5: memref<128x128xf32, #tpu.memory_space<vmem>>, %arg6: memref<512xi32, #tpu.memory_space<vmem>>, %arg7: memref<512xf32, #tpu.memory_space<vmem>>) attributes {dimension_semantics = [#tpu.dimension_semantics<core_parallel>, #tpu.dimension_semantics<subcore_parallel>], iteration_bounds = array<i64: 2, 16>, scalar_prefetch = 0 : i64, scratch_operands = 3 : i64, tpu.core_type = #tpu.core_type<sc_vector_subcore>, window_params = [{transform_indices = #map}, {transform_indices = #map1}, {transform_indices = #map2}]} {
    %mul3A = arith.constant 2 : i32
    %mul3A_0 = arith.muli %arg1, %mul3A : i32
    %add3A = arith.addi %mul3A_0, %arg0 : i32
    %jit3A = arith.constant 8 : i32
    %div3A = arith.divsi %add3A, %jit3A : i32
    %sign3A = arith.constant 0 : i32
    %sign3A_1 = arith.cmpi sgt, %add3A, %sign3A : i32
    %sign3A_2 = arith.extui %sign3A_1 : i1 to i32
    %sign3A_3 = arith.constant 0 : i32
    %sign3A_4 = arith.cmpi slt, %add3A, %sign3A_3 : i32
    %sign3A_5 = arith.extui %sign3A_4 : i1 to i32
    %sign3A_6 = arith.subi %sign3A_2, %sign3A_5 : i32
    %sign3A_7 = arith.constant 0 : i32
    %sign3A_8 = arith.cmpi sgt, %jit3A, %sign3A_7 : i32
    %sign3A_9 = arith.extui %sign3A_8 : i1 to i32
    %sign3A_10 = arith.constant 0 : i32
    %sign3A_11 = arith.cmpi slt, %jit3A, %sign3A_10 : i32
    %sign3A_12 = arith.extui %sign3A_11 : i1 to i32
    %sign3A_13 = arith.subi %sign3A_9, %sign3A_12 : i32
    %ne3A = arith.cmpi ne, %sign3A_6, %sign3A_13 : i32
    %rem3A = arith.remsi %add3A, %jit3A : i32
    %ne3A_14 = arith.constant 0 : i32
    %ne3A_15 = arith.cmpi ne, %rem3A, %ne3A_14 : i32
    %and3A = arith.andi %ne3A, %ne3A_15 : i1
    %sub3A = arith.constant 1 : i32
    %sub3A_16 = arith.subi %div3A, %sub3A : i32
    %select_n3A = arith.select %and3A, %sub3A_16, %div3A : i32
    %jit3A_17 = arith.constant 8 : i32
    %eq3A = arith.constant 0 : i32
    %eq3A_18 = arith.cmpi eq, %jit3A_17, %eq3A : i32
    %jit3A_19 = arith.constant 1 : i32
    %select_n3A_20 = arith.select %eq3A_18, %jit3A_19, %jit3A_17 : i32
    %rem3A_21 = arith.remsi %add3A, %select_n3A_20 : i32
    %ne3A_22 = arith.constant 0 : i32
    %ne3A_23 = arith.cmpi ne, %rem3A_21, %ne3A_22 : i32
    %lt3A = arith.constant 0 : i32
    %lt3A_24 = arith.cmpi slt, %rem3A_21, %lt3A : i32
    %lt3A_25 = arith.constant 0 : i32
    %lt3A_26 = arith.cmpi slt, %select_n3A_20, %lt3A_25 : i32
    %ne3A_27 = arith.xori %lt3A_24, %lt3A_26 : i1
    %and3A_28 = arith.andi %ne3A_27, %ne3A_23 : i1
    %add3A_29 = arith.addi %rem3A_21, %select_n3A_20 : i32
    %select_n3A_30 = arith.select %and3A_28, %add3A_29, %rem3A_21 : i32
    "tpu.region"() ({
      %run_scoped3A = tpu.sem_alloc : memref<!tpu.dma_semaphore, #tpu.memory_space<semaphore_mem>>
      %dma_start3A = arith.constant 0 : i32
      %dma_start3A_475 = tpu.memref_slice %arg3[%select_n3A, %dma_start3A] : memref<4x512xi32, #tpu.memory_space<hbm>> -> memref<1x512xi32, #tpu.memory_space<hbm>>
      %dma_start3A_476 = tpu.memref_squeeze %dma_start3A_475 : memref<1x512xi32, #tpu.memory_space<hbm>> -> memref<512xi32, #tpu.memory_space<hbm>>
      %dma_start3A_477 = arith.constant 0 : i32
      %dma_start3A_478 = tpu.memref_slice %arg3[%select_n3A, %dma_start3A_477] : memref<4x512xi32, #tpu.memory_space<hbm>> -> memref<1x512xi32, #tpu.memory_space<hbm>>
      %dma_start3A_479 = tpu.memref_squeeze %dma_start3A_478 : memref<1x512xi32, #tpu.memory_space<hbm>> -> memref<512xi32, #tpu.memory_space<hbm>>
      tpu.enqueue_dma source(%dma_start3A_479 : memref<512xi32, #tpu.memory_space<hbm>>) target(%arg6 : memref<512xi32, #tpu.memory_space<vmem>>) target_semaphore(%run_scoped3A : memref<!tpu.dma_semaphore, #tpu.memory_space<semaphore_mem>>)
      %dma_wait3A = arith.constant 0 : i32
      %dma_wait3A_480 = tpu.memref_slice %arg3[%select_n3A, %dma_wait3A] : memref<4x512xi32, #tpu.memory_space<hbm>> -> memref<1x512xi32, #tpu.memory_space<hbm>>
      %dma_wait3A_481 = tpu.memref_squeeze %dma_wait3A_480 : memref<1x512xi32, #tpu.memory_space<hbm>> -> memref<512xi32, #tpu.memory_space<hbm>>
      %dma_wait3A_482 = arith.constant 0 : i32
      %dma_wait3A_483 = tpu.memref_slice %arg3[%select_n3A, %dma_wait3A_482] : memref<4x512xi32, #tpu.memory_space<hbm>> -> memref<1x512xi32, #tpu.memory_space<hbm>>
      %dma_wait3A_484 = tpu.memref_squeeze %dma_wait3A_483 : memref<1x512xi32, #tpu.memory_space<hbm>> -> memref<512xi32, #tpu.memory_space<hbm>>
      tpu.wait_dma2 semaphore(%run_scoped3A : memref<!tpu.dma_semaphore, #tpu.memory_space<semaphore_mem>>) src(%dma_wait3A_484 : memref<512xi32, #tpu.memory_space<hbm>>) dst(%arg6 : memref<512xi32, #tpu.memory_space<vmem>>)
      tpu.yield
    }) : () -> ()
    "tpu.region"() ({
      %run_scoped3A = tpu.sem_alloc : memref<!tpu.dma_semaphore, #tpu.memory_space<semaphore_mem>>
      %dma_start3A = arith.constant 0 : i32
      %dma_start3A_475 = arith.constant 0 : i32
      %dma_start3A_476 = tpu.memref_slice %arg2[%select_n3A, %select_n3A_30, %dma_start3A, %dma_start3A_475] : memref<4x8x128x128xf32, #tpu.memory_space<hbm>> -> memref<1x1x128x128xf32, #tpu.memory_space<hbm>>
      %dma_start3A_477 = tpu.memref_squeeze %dma_start3A_476 : memref<1x1x128x128xf32, #tpu.memory_space<hbm>> -> memref<128x128xf32, #tpu.memory_space<hbm>>
      %dma_start3A_478 = arith.constant 0 : i32
      %dma_start3A_479 = arith.constant 0 : i32
      %dma_start3A_480 = tpu.memref_slice %arg2[%select_n3A, %select_n3A_30, %dma_start3A_478, %dma_start3A_479] : memref<4x8x128x128xf32, #tpu.memory_space<hbm>> -> memref<1x1x128x128xf32, #tpu.memory_space<hbm>>
      %dma_start3A_481 = tpu.memref_squeeze %dma_start3A_480 : memref<1x1x128x128xf32, #tpu.memory_space<hbm>> -> memref<128x128xf32, #tpu.memory_space<hbm>>
      tpu.enqueue_dma source(%dma_start3A_481 : memref<128x128xf32, #tpu.memory_space<hbm>>) target(%arg5 : memref<128x128xf32, #tpu.memory_space<vmem>>) target_semaphore(%run_scoped3A : memref<!tpu.dma_semaphore, #tpu.memory_space<semaphore_mem>>)
      %dma_wait3A = arith.constant 0 : i32
      %dma_wait3A_482 = arith.constant 0 : i32
      %dma_wait3A_483 = tpu.memref_slice %arg2[%select_n3A, %select_n3A_30, %dma_wait3A, %dma_wait3A_482] : memref<4x8x128x128xf32, #tpu.memory_space<hbm>> -> memref<1x1x128x128xf32, #tpu.memory_space<hbm>>
      %dma_wait3A_484 = tpu.memref_squeeze %dma_wait3A_483 : memref<1x1x128x128xf32, #tpu.memory_space<hbm>> -> memref<128x128xf32, #tpu.memory_space<hbm>>
      %dma_wait3A_485 = arith.constant 0 : i32
      %dma_wait3A_486 = arith.constant 0 : i32
      %dma_wait3A_487 = tpu.memref_slice %arg2[%select_n3A, %select_n3A_30, %dma_wait3A_485, %dma_wait3A_486] : memref<4x8x128x128xf32, #tpu.memory_space<hbm>> -> memref<1x1x128x128xf32, #tpu.memory_space<hbm>>
      %dma_wait3A_488 = tpu.memref_squeeze %dma_wait3A_487 : memref<1x1x128x128xf32, #tpu.memory_space<hbm>> -> memref<128x128xf32, #tpu.memory_space<hbm>>
      tpu.wait_dma2 semaphore(%run_scoped3A : memref<!tpu.dma_semaphore, #tpu.memory_space<semaphore_mem>>) src(%dma_wait3A_488 : memref<128x128xf32, #tpu.memory_space<hbm>>) dst(%arg5 : memref<128x128xf32, #tpu.memory_space<vmem>>)
      tpu.yield
    }) : () -> ()
    %get3A = arith.constant 0 : index
    %get3A_31 = tpu.vector_load %arg6[%get3A] {strides = array<i32>} : memref<512xi32, #tpu.memory_space<vmem>>, vector<16xi32>,
    %and3A_32 = arith.constant 16383 : i32
    %and3A_33 = vector.broadcast %and3A_32 : i32 to vector<16xi32>
    %and3A_34 = arith.andi %get3A_31, %and3A_33 : vector<16xi32>
    %shift_right_logical3A = arith.constant 7 : i32
    %shift_right_logical3A_35 = vector.broadcast %shift_right_logical3A : i32 to vector<16xi32>
    %shift_right_logical3A_36 = arith.shrui %and3A_34, %shift_right_logical3A_35 : vector<16xi32>
    %and3A_37 = arith.constant 127 : i32
    %and3A_38 = vector.broadcast %and3A_37 : i32 to vector<16xi32>
    %and3A_39 = arith.andi %and3A_34, %and3A_38 : vector<16xi32>
    %gather3A = tpu.vector_load_idx %arg5[%shift_right_logical3A_36, %and3A_39] : memref<128x128xf32, #tpu.memory_space<vmem>>[vector<16xi32>, vector<16xi32>], vector<16xf32>,
    %swap3A = arith.constant 0 : index
    %swap3A_40 = tpu.vector_load %arg7[%swap3A] {strides = array<i32>} : memref<512xf32, #tpu.memory_space<vmem>>, vector<16xf32>,
    tpu.vector_store %arg7[%swap3A], %gather3A {strides = array<i32>} : memref<512xf32, #tpu.memory_space<vmem>>, vector<16xf32>,
    %get3A_41 = arith.constant 16 : index
    %get3A_42 = tpu.vector_load %arg6[%get3A_41] {strides = array<i32>} : memref<512xi32, #tpu.memory_space<vmem>>, vector<16xi32>,
    %and3A_43 = arith.constant 16383 : i32
    %and3A_44 = vector.broadcast %and3A_43 : i32 to vector<16xi32>
    %and3A_45 = arith.andi %get3A_42, %and3A_44 : vector<16xi32>
    %shift_right_logical3A_46 = arith.constant 7 : i32
    %shift_right_logical3A_47 = vector.broadcast %shift_right_logical3A_46 : i32 to vector<16xi32>
    %shift_right_logical3A_48 = arith.shrui %and3A_45, %shift_right_logical3A_47 : vector<16xi32>
    %and3A_49 = arith.constant 127 : i32
    %and3A_50 = vector.broadcast %and3A_49 : i32 to vector<16xi32>
    %and3A_51 = arith.andi %and3A_45, %and3A_50 : vector<16xi32>
    %gather3A_52 = tpu.vector_load_idx %arg5[%shift_right_logical3A_48, %and3A_51] : memref<128x128xf32, #tpu.memory_space<vmem>>[vector<16xi32>, vector<16xi32>], vector<16xf32>,
    %swap3A_53 = arith.constant 16 : index
    %swap3A_54 = tpu.vector_load %arg7[%swap3A_53] {strides = array<i32>} : memref<512xf32, #tpu.memory_space<vmem>>, vector<16xf32>,
    tpu.vector_store %arg7[%swap3A_53], %gather3A_52 {strides = array<i32>} : memref<512xf32, #tpu.memory_space<vmem>>, vector<16xf32>,
    %get3A_55 = arith.constant 32 : index
    %get3A_56 = tpu.vector_load %arg6[%get3A_55] {strides = array<i32>} : memref<512xi32, #tpu.memory_space<vmem>>, vector<16xi32>,
    %and3A_57 = arith.constant 16383 : i32
    %and3A_58 = vector.broadcast %and3A_57 : i32 to vector<16xi32>
    %and3A_59 = arith.andi %get3A_56, %and3A_58 : vector<16xi32>
    %shift_right_logical3A_60 = arith.constant 7 : i32
    %shift_right_logical3A_61 = vector.broadcast %shift_right_logical3A_60 : i32 to vector<16xi32>
    %shift_right_logical3A_62 = arith.shrui %and3A_59, %shift_right_logical3A_61 : vector<16xi32>
    %and3A_63 = arith.constant 127 : i32
    %and3A_64 = vector.broadcast %and3A_63 : i32 to vector<16xi32>
    %and3A_65 = arith.andi %and3A_59, %and3A_64 : vector<16xi32>
    %gather3A_66 = tpu.vector_load_idx %arg5[%shift_right_logical3A_62, %and3A_65] : memref<128x128xf32, #tpu.memory_space<vmem>>[vector<16xi32>, vector<16xi32>], vector<16xf32>,
    %swap3A_67 = arith.constant 32 : index
    %swap3A_68 = tpu.vector_load %arg7[%swap3A_67] {strides = array<i32>} : memref<512xf32, #tpu.memory_space<vmem>>, vector<16xf32>,
    tpu.vector_store %arg7[%swap3A_67], %gather3A_66 {strides = array<i32>} : memref<512xf32, #tpu.memory_space<vmem>>, vector<16xf32>,
    %get3A_69 = arith.constant 48 : index
    %get3A_70 = tpu.vector_load %arg6[%get3A_69] {strides = array<i32>} : memref<512xi32, #tpu.memory_space<vmem>>, vector<16xi32>,
    %and3A_71 = arith.constant 16383 : i32
    %and3A_72 = vector.broadcast %and3A_71 : i32 to vector<16xi32>
    %and3A_73 = arith.andi %get3A_70, %and3A_72 : vector<16xi32>
    %shift_right_logical3A_74 = arith.constant 7 : i32
    %shift_right_logical3A_75 = vector.broadcast %shift_right_logical3A_74 : i32 to vector<16xi32>
    %shift_right_logical3A_76 = arith.shrui %and3A_73, %shift_right_logical3A_75 : vector<16xi32>
    %and3A_77 = arith.constant 127 : i32
    %and3A_78 = vector.broadcast %and3A_77 : i32 to vector<16xi32>
    %and3A_79 = arith.andi %and3A_73, %and3A_78 : vector<16xi32>
    %gather3A_80 = tpu.vector_load_idx %arg5[%shift_right_logical3A_76, %and3A_79] : memref<128x128xf32, #tpu.memory_space<vmem>>[vector<16xi32>, vector<16xi32>], vector<16xf32>,
    %swap3A_81 = arith.constant 48 : index
    %swap3A_82 = tpu.vector_load %arg7[%swap3A_81] {strides = array<i32>} : memref<512xf32, #tpu.memory_space<vmem>>, vector<16xf32>,
    tpu.vector_store %arg7[%swap3A_81], %gather3A_80 {strides = array<i32>} : memref<512xf32, #tpu.memory_space<vmem>>, vector<16xf32>,
    %get3A_83 = arith.constant 64 : index
    %get3A_84 = tpu.vector_load %arg6[%get3A_83] {strides = array<i32>} : memref<512xi32, #tpu.memory_space<vmem>>, vector<16xi32>,
    %and3A_85 = arith.constant 16383 : i32
    %and3A_86 = vector.broadcast %and3A_85 : i32 to vector<16xi32>
    %and3A_87 = arith.andi %get3A_84, %and3A_86 : vector<16xi32>
    %shift_right_logical3A_88 = arith.constant 7 : i32
    %shift_right_logical3A_89 = vector.broadcast %shift_right_logical3A_88 : i32 to vector<16xi32>
    %shift_right_logical3A_90 = arith.shrui %and3A_87, %shift_right_logical3A_89 : vector<16xi32>
    %and3A_91 = arith.constant 127 : i32
    %and3A_92 = vector.broadcast %and3A_91 : i32 to vector<16xi32>
    %and3A_93 = arith.andi %and3A_87, %and3A_92 : vector<16xi32>
    %gather3A_94 = tpu.vector_load_idx %arg5[%shift_right_logical3A_90, %and3A_93] : memref<128x128xf32, #tpu.memory_space<vmem>>[vector<16xi32>, vector<16xi32>], vector<16xf32>,
    %swap3A_95 = arith.constant 64 : index
    %swap3A_96 = tpu.vector_load %arg7[%swap3A_95] {strides = array<i32>} : memref<512xf32, #tpu.memory_space<vmem>>, vector<16xf32>,
    tpu.vector_store %arg7[%swap3A_95], %gather3A_94 {strides = array<i32>} : memref<512xf32, #tpu.memory_space<vmem>>, vector<16xf32>,
    %get3A_97 = arith.constant 80 : index
    %get3A_98 = tpu.vector_load %arg6[%get3A_97] {strides = array<i32>} : memref<512xi32, #tpu.memory_space<vmem>>, vector<16xi32>,
    %and3A_99 = arith.constant 16383 : i32
    %and3A_100 = vector.broadcast %and3A_99 : i32 to vector<16xi32>
    %and3A_101 = arith.andi %get3A_98, %and3A_100 : vector<16xi32>
    %shift_right_logical3A_102 = arith.constant 7 : i32
    %shift_right_logical3A_103 = vector.broadcast %shift_right_logical3A_102 : i32 to vector<16xi32>
    %shift_right_logical3A_104 = arith.shrui %and3A_101, %shift_right_logical3A_103 : vector<16xi32>
    %and3A_105 = arith.constant 127 : i32
    %and3A_106 = vector.broadcast %and3A_105 : i32 to vector<16xi32>
    %and3A_107 = arith.andi %and3A_101, %and3A_106 : vector<16xi32>
    %gather3A_108 = tpu.vector_load_idx %arg5[%shift_right_logical3A_104, %and3A_107] : memref<128x128xf32, #tpu.memory_space<vmem>>[vector<16xi32>, vector<16xi32>], vector<16xf32>,
    %swap3A_109 = arith.constant 80 : index
    %swap3A_110 = tpu.vector_load %arg7[%swap3A_109] {strides = array<i32>} : memref<512xf32, #tpu.memory_space<vmem>>, vector<16xf32>,
    tpu.vector_store %arg7[%swap3A_109], %gather3A_108 {strides = array<i32>} : memref<512xf32, #tpu.memory_space<vmem>>, vector<16xf32>,
    %get3A_111 = arith.constant 96 : index
    %get3A_112 = tpu.vector_load %arg6[%get3A_111] {strides = array<i32>} : memref<512xi32, #tpu.memory_space<vmem>>, vector<16xi32>,
    %and3A_113 = arith.constant 16383 : i32
    %and3A_114 = vector.broadcast %and3A_113 : i32 to vector<16xi32>
    %and3A_115 = arith.andi %get3A_112, %and3A_114 : vector<16xi32>
    %shift_right_logical3A_116 = arith.constant 7 : i32
    %shift_right_logical3A_117 = vector.broadcast %shift_right_logical3A_116 : i32 to vector<16xi32>
    %shift_right_logical3A_118 = arith.shrui %and3A_115, %shift_right_logical3A_117 : vector<16xi32>
    %and3A_119 = arith.constant 127 : i32
    %and3A_120 = vector.broadcast %and3A_119 : i32 to vector<16xi32>
    %and3A_121 = arith.andi %and3A_115, %and3A_120 : vector<16xi32>
    %gather3A_122 = tpu.vector_load_idx %arg5[%shift_right_logical3A_118, %and3A_121] : memref<128x128xf32, #tpu.memory_space<vmem>>[vector<16xi32>, vector<16xi32>], vector<16xf32>,
    %swap3A_123 = arith.constant 96 : index
    %swap3A_124 = tpu.vector_load %arg7[%swap3A_123] {strides = array<i32>} : memref<512xf32, #tpu.memory_space<vmem>>, vector<16xf32>,
    tpu.vector_store %arg7[%swap3A_123], %gather3A_122 {strides = array<i32>} : memref<512xf32, #tpu.memory_space<vmem>>, vector<16xf32>,
    %get3A_125 = arith.constant 112 : index
    %get3A_126 = tpu.vector_load %arg6[%get3A_125] {strides = array<i32>} : memref<512xi32, #tpu.memory_space<vmem>>, vector<16xi32>,
    %and3A_127 = arith.constant 16383 : i32
    %and3A_128 = vector.broadcast %and3A_127 : i32 to vector<16xi32>
    %and3A_129 = arith.andi %get3A_126, %and3A_128 : vector<16xi32>
    %shift_right_logical3A_130 = arith.constant 7 : i32
    %shift_right_logical3A_131 = vector.broadcast %shift_right_logical3A_130 : i32 to vector<16xi32>
    %shift_right_logical3A_132 = arith.shrui %and3A_129, %shift_right_logical3A_131 : vector<16xi32>
    %and3A_133 = arith.constant 127 : i32
    %and3A_134 = vector.broadcast %and3A_133 : i32 to vector<16xi32>
    %and3A_135 = arith.andi %and3A_129, %and3A_134 : vector<16xi32>
    %gather3A_136 = tpu.vector_load_idx %arg5[%shift_right_logical3A_132, %and3A_135] : memref<128x128xf32, #tpu.memory_space<vmem>>[vector<16xi32>, vector<16xi32>], vector<16xf32>,
    %swap3A_137 = arith.constant 112 : index
    %swap3A_138 = tpu.vector_load %arg7[%swap3A_137] {strides = array<i32>} : memref<512xf32, #tpu.memory_space<vmem>>, vector<16xf32>,
    tpu.vector_store %arg7[%swap3A_137], %gather3A_136 {strides = array<i32>} : memref<512xf32, #tpu.memory_space<vmem>>, vector<16xf32>,
    %get3A_139 = arith.constant 128 : index
    %get3A_140 = tpu.vector_load %arg6[%get3A_139] {strides = array<i32>} : memref<512xi32, #tpu.memory_space<vmem>>, vector<16xi32>,
    %and3A_141 = arith.constant 16383 : i32
    %and3A_142 = vector.broadcast %and3A_141 : i32 to vector<16xi32>
    %and3A_143 = arith.andi %get3A_140, %and3A_142 : vector<16xi32>
    %shift_right_logical3A_144 = arith.constant 7 : i32
    %shift_right_logical3A_145 = vector.broadcast %shift_right_logical3A_144 : i32 to vector<16xi32>
    %shift_right_logical3A_146 = arith.shrui %and3A_143, %shift_right_logical3A_145 : vector<16xi32>
    %and3A_147 = arith.constant 127 : i32
    %and3A_148 = vector.broadcast %and3A_147 : i32 to vector<16xi32>
    %and3A_149 = arith.andi %and3A_143, %and3A_148 : vector<16xi32>
    %gather3A_150 = tpu.vector_load_idx %arg5[%shift_right_logical3A_146, %and3A_149] : memref<128x128xf32, #tpu.memory_space<vmem>>[vector<16xi32>, vector<16xi32>], vector<16xf32>,
    %swap3A_151 = arith.constant 128 : index
    %swap3A_152 = tpu.vector_load %arg7[%swap3A_151] {strides = array<i32>} : memref<512xf32, #tpu.memory_space<vmem>>, vector<16xf32>,
    tpu.vector_store %arg7[%swap3A_151], %gather3A_150 {strides = array<i32>} : memref<512xf32, #tpu.memory_space<vmem>>, vector<16xf32>,
    %get3A_153 = arith.constant 144 : index
    %get3A_154 = tpu.vector_load %arg6[%get3A_153] {strides = array<i32>} : memref<512xi32, #tpu.memory_space<vmem>>, vector<16xi32>,
    %and3A_155 = arith.constant 16383 : i32
    %and3A_156 = vector.broadcast %and3A_155 : i32 to vector<16xi32>
    %and3A_157 = arith.andi %get3A_154, %and3A_156 : vector<16xi32>
    %shift_right_logical3A_158 = arith.constant 7 : i32
    %shift_right_logical3A_159 = vector.broadcast %shift_right_logical3A_158 : i32 to vector<16xi32>
    %shift_right_logical3A_160 = arith.shrui %and3A_157, %shift_right_logical3A_159 : vector<16xi32>
    %and3A_161 = arith.constant 127 : i32
    %and3A_162 = vector.broadcast %and3A_161 : i32 to vector<16xi32>
    %and3A_163 = arith.andi %and3A_157, %and3A_162 : vector<16xi32>
    %gather3A_164 = tpu.vector_load_idx %arg5[%shift_right_logical3A_160, %and3A_163] : memref<128x128xf32, #tpu.memory_space<vmem>>[vector<16xi32>, vector<16xi32>], vector<16xf32>,
    %swap3A_165 = arith.constant 144 : index
    %swap3A_166 = tpu.vector_load %arg7[%swap3A_165] {strides = array<i32>} : memref<512xf32, #tpu.memory_space<vmem>>, vector<16xf32>,
    tpu.vector_store %arg7[%swap3A_165], %gather3A_164 {strides = array<i32>} : memref<512xf32, #tpu.memory_space<vmem>>, vector<16xf32>,
    %get3A_167 = arith.constant 160 : index
    %get3A_168 = tpu.vector_load %arg6[%get3A_167] {strides = array<i32>} : memref<512xi32, #tpu.memory_space<vmem>>, vector<16xi32>,
    %and3A_169 = arith.constant 16383 : i32
    %and3A_170 = vector.broadcast %and3A_169 : i32 to vector<16xi32>
    %and3A_171 = arith.andi %get3A_168, %and3A_170 : vector<16xi32>
    %shift_right_logical3A_172 = arith.constant 7 : i32
    %shift_right_logical3A_173 = vector.broadcast %shift_right_logical3A_172 : i32 to vector<16xi32>
    %shift_right_logical3A_174 = arith.shrui %and3A_171, %shift_right_logical3A_173 : vector<16xi32>
    %and3A_175 = arith.constant 127 : i32
    %and3A_176 = vector.broadcast %and3A_175 : i32 to vector<16xi32>
    %and3A_177 = arith.andi %and3A_171, %and3A_176 : vector<16xi32>
    %gather3A_178 = tpu.vector_load_idx %arg5[%shift_right_logical3A_174, %and3A_177] : memref<128x128xf32, #tpu.memory_space<vmem>>[vector<16xi32>, vector<16xi32>], vector<16xf32>,
    %swap3A_179 = arith.constant 160 : index
    %swap3A_180 = tpu.vector_load %arg7[%swap3A_179] {strides = array<i32>} : memref<512xf32, #tpu.memory_space<vmem>>, vector<16xf32>,
    tpu.vector_store %arg7[%swap3A_179], %gather3A_178 {strides = array<i32>} : memref<512xf32, #tpu.memory_space<vmem>>, vector<16xf32>,
    %get3A_181 = arith.constant 176 : index
    %get3A_182 = tpu.vector_load %arg6[%get3A_181] {strides = array<i32>} : memref<512xi32, #tpu.memory_space<vmem>>, vector<16xi32>,
    %and3A_183 = arith.constant 16383 : i32
    %and3A_184 = vector.broadcast %and3A_183 : i32 to vector<16xi32>
    %and3A_185 = arith.andi %get3A_182, %and3A_184 : vector<16xi32>
    %shift_right_logical3A_186 = arith.constant 7 : i32
    %shift_right_logical3A_187 = vector.broadcast %shift_right_logical3A_186 : i32 to vector<16xi32>
    %shift_right_logical3A_188 = arith.shrui %and3A_185, %shift_right_logical3A_187 : vector<16xi32>
    %and3A_189 = arith.constant 127 : i32
    %and3A_190 = vector.broadcast %and3A_189 : i32 to vector<16xi32>
    %and3A_191 = arith.andi %and3A_185, %and3A_190 : vector<16xi32>
    %gather3A_192 = tpu.vector_load_idx %arg5[%shift_right_logical3A_188, %and3A_191] : memref<128x128xf32, #tpu.memory_space<vmem>>[vector<16xi32>, vector<16xi32>], vector<16xf32>,
    %swap3A_193 = arith.constant 176 : index
    %swap3A_194 = tpu.vector_load %arg7[%swap3A_193] {strides = array<i32>} : memref<512xf32, #tpu.memory_space<vmem>>, vector<16xf32>,
    tpu.vector_store %arg7[%swap3A_193], %gather3A_192 {strides = array<i32>} : memref<512xf32, #tpu.memory_space<vmem>>, vector<16xf32>,
    %get3A_195 = arith.constant 192 : index
    %get3A_196 = tpu.vector_load %arg6[%get3A_195] {strides = array<i32>} : memref<512xi32, #tpu.memory_space<vmem>>, vector<16xi32>,
    %and3A_197 = arith.constant 16383 : i32
    %and3A_198 = vector.broadcast %and3A_197 : i32 to vector<16xi32>
    %and3A_199 = arith.andi %get3A_196, %and3A_198 : vector<16xi32>
    %shift_right_logical3A_200 = arith.constant 7 : i32
    %shift_right_logical3A_201 = vector.broadcast %shift_right_logical3A_200 : i32 to vector<16xi32>
    %shift_right_logical3A_202 = arith.shrui %and3A_199, %shift_right_logical3A_201 : vector<16xi32>
    %and3A_203 = arith.constant 127 : i32
    %and3A_204 = vector.broadcast %and3A_203 : i32 to vector<16xi32>
    %and3A_205 = arith.andi %and3A_199, %and3A_204 : vector<16xi32>
    %gather3A_206 = tpu.vector_load_idx %arg5[%shift_right_logical3A_202, %and3A_205] : memref<128x128xf32, #tpu.memory_space<vmem>>[vector<16xi32>, vector<16xi32>], vector<16xf32>,
    %swap3A_207 = arith.constant 192 : index
    %swap3A_208 = tpu.vector_load %arg7[%swap3A_207] {strides = array<i32>} : memref<512xf32, #tpu.memory_space<vmem>>, vector<16xf32>,
    tpu.vector_store %arg7[%swap3A_207], %gather3A_206 {strides = array<i32>} : memref<512xf32, #tpu.memory_space<vmem>>, vector<16xf32>,
    %get3A_209 = arith.constant 208 : index
    %get3A_210 = tpu.vector_load %arg6[%get3A_209] {strides = array<i32>} : memref<512xi32, #tpu.memory_space<vmem>>, vector<16xi32>,
    %and3A_211 = arith.constant 16383 : i32
    %and3A_212 = vector.broadcast %and3A_211 : i32 to vector<16xi32>
    %and3A_213 = arith.andi %get3A_210, %and3A_212 : vector<16xi32>
    %shift_right_logical3A_214 = arith.constant 7 : i32
    %shift_right_logical3A_215 = vector.broadcast %shift_right_logical3A_214 : i32 to vector<16xi32>
    %shift_right_logical3A_216 = arith.shrui %and3A_213, %shift_right_logical3A_215 : vector<16xi32>
    %and3A_217 = arith.constant 127 : i32
    %and3A_218 = vector.broadcast %and3A_217 : i32 to vector<16xi32>
    %and3A_219 = arith.andi %and3A_213, %and3A_218 : vector<16xi32>
    %gather3A_220 = tpu.vector_load_idx %arg5[%shift_right_logical3A_216, %and3A_219] : memref<128x128xf32, #tpu.memory_space<vmem>>[vector<16xi32>, vector<16xi32>], vector<16xf32>,
    %swap3A_221 = arith.constant 208 : index
    %swap3A_222 = tpu.vector_load %arg7[%swap3A_221] {strides = array<i32>} : memref<512xf32, #tpu.memory_space<vmem>>, vector<16xf32>,
    tpu.vector_store %arg7[%swap3A_221], %gather3A_220 {strides = array<i32>} : memref<512xf32, #tpu.memory_space<vmem>>, vector<16xf32>,
    %get3A_223 = arith.constant 224 : index
    %get3A_224 = tpu.vector_load %arg6[%get3A_223] {strides = array<i32>} : memref<512xi32, #tpu.memory_space<vmem>>, vector<16xi32>,
    %and3A_225 = arith.constant 16383 : i32
    %and3A_226 = vector.broadcast %and3A_225 : i32 to vector<16xi32>
    %and3A_227 = arith.andi %get3A_224, %and3A_226 : vector<16xi32>
    %shift_right_logical3A_228 = arith.constant 7 : i32
    %shift_right_logical3A_229 = vector.broadcast %shift_right_logical3A_228 : i32 to vector<16xi32>
    %shift_right_logical3A_230 = arith.shrui %and3A_227, %shift_right_logical3A_229 : vector<16xi32>
    %and3A_231 = arith.constant 127 : i32
    %and3A_232 = vector.broadcast %and3A_231 : i32 to vector<16xi32>
    %and3A_233 = arith.andi %and3A_227, %and3A_232 : vector<16xi32>
    %gather3A_234 = tpu.vector_load_idx %arg5[%shift_right_logical3A_230, %and3A_233] : memref<128x128xf32, #tpu.memory_space<vmem>>[vector<16xi32>, vector<16xi32>], vector<16xf32>,
    %swap3A_235 = arith.constant 224 : index
    %swap3A_236 = tpu.vector_load %arg7[%swap3A_235] {strides = array<i32>} : memref<512xf32, #tpu.memory_space<vmem>>, vector<16xf32>,
    tpu.vector_store %arg7[%swap3A_235], %gather3A_234 {strides = array<i32>} : memref<512xf32, #tpu.memory_space<vmem>>, vector<16xf32>,
    %get3A_237 = arith.constant 240 : index
    %get3A_238 = tpu.vector_load %arg6[%get3A_237] {strides = array<i32>} : memref<512xi32, #tpu.memory_space<vmem>>, vector<16xi32>,
    %and3A_239 = arith.constant 16383 : i32
    %and3A_240 = vector.broadcast %and3A_239 : i32 to vector<16xi32>
    %and3A_241 = arith.andi %get3A_238, %and3A_240 : vector<16xi32>
    %shift_right_logical3A_242 = arith.constant 7 : i32
    %shift_right_logical3A_243 = vector.broadcast %shift_right_logical3A_242 : i32 to vector<16xi32>
    %shift_right_logical3A_244 = arith.shrui %and3A_241, %shift_right_logical3A_243 : vector<16xi32>
    %and3A_245 = arith.constant 127 : i32
    %and3A_246 = vector.broadcast %and3A_245 : i32 to vector<16xi32>
    %and3A_247 = arith.andi %and3A_241, %and3A_246 : vector<16xi32>
    %gather3A_248 = tpu.vector_load_idx %arg5[%shift_right_logical3A_244, %and3A_247] : memref<128x128xf32, #tpu.memory_space<vmem>>[vector<16xi32>, vector<16xi32>], vector<16xf32>,
    %swap3A_249 = arith.constant 240 : index
    %swap3A_250 = tpu.vector_load %arg7[%swap3A_249] {strides = array<i32>} : memref<512xf32, #tpu.memory_space<vmem>>, vector<16xf32>,
    tpu.vector_store %arg7[%swap3A_249], %gather3A_248 {strides = array<i32>} : memref<512xf32, #tpu.memory_space<vmem>>, vector<16xf32>,
    %get3A_251 = arith.constant 256 : index
    %get3A_252 = tpu.vector_load %arg6[%get3A_251] {strides = array<i32>} : memref<512xi32, #tpu.memory_space<vmem>>, vector<16xi32>,
    %and3A_253 = arith.constant 16383 : i32
    %and3A_254 = vector.broadcast %and3A_253 : i32 to vector<16xi32>
    %and3A_255 = arith.andi %get3A_252, %and3A_254 : vector<16xi32>
    %shift_right_logical3A_256 = arith.constant 7 : i32
    %shift_right_logical3A_257 = vector.broadcast %shift_right_logical3A_256 : i32 to vector<16xi32>
    %shift_right_logical3A_258 = arith.shrui %and3A_255, %shift_right_logical3A_257 : vector<16xi32>
    %and3A_259 = arith.constant 127 : i32
    %and3A_260 = vector.broadcast %and3A_259 : i32 to vector<16xi32>
    %and3A_261 = arith.andi %and3A_255, %and3A_260 : vector<16xi32>
    %gather3A_262 = tpu.vector_load_idx %arg5[%shift_right_logical3A_258, %and3A_261] : memref<128x128xf32, #tpu.memory_space<vmem>>[vector<16xi32>, vector<16xi32>], vector<16xf32>,
    %swap3A_263 = arith.constant 256 : index
    %swap3A_264 = tpu.vector_load %arg7[%swap3A_263] {strides = array<i32>} : memref<512xf32, #tpu.memory_space<vmem>>, vector<16xf32>,
    tpu.vector_store %arg7[%swap3A_263], %gather3A_262 {strides = array<i32>} : memref<512xf32, #tpu.memory_space<vmem>>, vector<16xf32>,
    %get3A_265 = arith.constant 272 : index
    %get3A_266 = tpu.vector_load %arg6[%get3A_265] {strides = array<i32>} : memref<512xi32, #tpu.memory_space<vmem>>, vector<16xi32>,
    %and3A_267 = arith.constant 16383 : i32
    %and3A_268 = vector.broadcast %and3A_267 : i32 to vector<16xi32>
    %and3A_269 = arith.andi %get3A_266, %and3A_268 : vector<16xi32>
    %shift_right_logical3A_270 = arith.constant 7 : i32
    %shift_right_logical3A_271 = vector.broadcast %shift_right_logical3A_270 : i32 to vector<16xi32>
    %shift_right_logical3A_272 = arith.shrui %and3A_269, %shift_right_logical3A_271 : vector<16xi32>
    %and3A_273 = arith.constant 127 : i32
    %and3A_274 = vector.broadcast %and3A_273 : i32 to vector<16xi32>
    %and3A_275 = arith.andi %and3A_269, %and3A_274 : vector<16xi32>
    %gather3A_276 = tpu.vector_load_idx %arg5[%shift_right_logical3A_272, %and3A_275] : memref<128x128xf32, #tpu.memory_space<vmem>>[vector<16xi32>, vector<16xi32>], vector<16xf32>,
    %swap3A_277 = arith.constant 272 : index
    %swap3A_278 = tpu.vector_load %arg7[%swap3A_277] {strides = array<i32>} : memref<512xf32, #tpu.memory_space<vmem>>, vector<16xf32>,
    tpu.vector_store %arg7[%swap3A_277], %gather3A_276 {strides = array<i32>} : memref<512xf32, #tpu.memory_space<vmem>>, vector<16xf32>,
    %get3A_279 = arith.constant 288 : index
    %get3A_280 = tpu.vector_load %arg6[%get3A_279] {strides = array<i32>} : memref<512xi32, #tpu.memory_space<vmem>>, vector<16xi32>,
    %and3A_281 = arith.constant 16383 : i32
    %and3A_282 = vector.broadcast %and3A_281 : i32 to vector<16xi32>
    %and3A_283 = arith.andi %get3A_280, %and3A_282 : vector<16xi32>
    %shift_right_logical3A_284 = arith.constant 7 : i32
    %shift_right_logical3A_285 = vector.broadcast %shift_right_logical3A_284 : i32 to vector<16xi32>
    %shift_right_logical3A_286 = arith.shrui %and3A_283, %shift_right_logical3A_285 : vector<16xi32>
    %and3A_287 = arith.constant 127 : i32
    %and3A_288 = vector.broadcast %and3A_287 : i32 to vector<16xi32>
    %and3A_289 = arith.andi %and3A_283, %and3A_288 : vector<16xi32>
    %gather3A_290 = tpu.vector_load_idx %arg5[%shift_right_logical3A_286, %and3A_289] : memref<128x128xf32, #tpu.memory_space<vmem>>[vector<16xi32>, vector<16xi32>], vector<16xf32>,
    %swap3A_291 = arith.constant 288 : index
    %swap3A_292 = tpu.vector_load %arg7[%swap3A_291] {strides = array<i32>} : memref<512xf32, #tpu.memory_space<vmem>>, vector<16xf32>,
    tpu.vector_store %arg7[%swap3A_291], %gather3A_290 {strides = array<i32>} : memref<512xf32, #tpu.memory_space<vmem>>, vector<16xf32>,
    %get3A_293 = arith.constant 304 : index
    %get3A_294 = tpu.vector_load %arg6[%get3A_293] {strides = array<i32>} : memref<512xi32, #tpu.memory_space<vmem>>, vector<16xi32>,
    %and3A_295 = arith.constant 16383 : i32
    %and3A_296 = vector.broadcast %and3A_295 : i32 to vector<16xi32>
    %and3A_297 = arith.andi %get3A_294, %and3A_296 : vector<16xi32>
    %shift_right_logical3A_298 = arith.constant 7 : i32
    %shift_right_logical3A_299 = vector.broadcast %shift_right_logical3A_298 : i32 to vector<16xi32>
    %shift_right_logical3A_300 = arith.shrui %and3A_297, %shift_right_logical3A_299 : vector<16xi32>
    %and3A_301 = arith.constant 127 : i32
    %and3A_302 = vector.broadcast %and3A_301 : i32 to vector<16xi32>
    %and3A_303 = arith.andi %and3A_297, %and3A_302 : vector<16xi32>
    %gather3A_304 = tpu.vector_load_idx %arg5[%shift_right_logical3A_300, %and3A_303] : memref<128x128xf32, #tpu.memory_space<vmem>>[vector<16xi32>, vector<16xi32>], vector<16xf32>,
    %swap3A_305 = arith.constant 304 : index
    %swap3A_306 = tpu.vector_load %arg7[%swap3A_305] {strides = array<i32>} : memref<512xf32, #tpu.memory_space<vmem>>, vector<16xf32>,
    tpu.vector_store %arg7[%swap3A_305], %gather3A_304 {strides = array<i32>} : memref<512xf32, #tpu.memory_space<vmem>>, vector<16xf32>,
    %get3A_307 = arith.constant 320 : index
    %get3A_308 = tpu.vector_load %arg6[%get3A_307] {strides = array<i32>} : memref<512xi32, #tpu.memory_space<vmem>>, vector<16xi32>,
    %and3A_309 = arith.constant 16383 : i32
    %and3A_310 = vector.broadcast %and3A_309 : i32 to vector<16xi32>
    %and3A_311 = arith.andi %get3A_308, %and3A_310 : vector<16xi32>
    %shift_right_logical3A_312 = arith.constant 7 : i32
    %shift_right_logical3A_313 = vector.broadcast %shift_right_logical3A_312 : i32 to vector<16xi32>
    %shift_right_logical3A_314 = arith.shrui %and3A_311, %shift_right_logical3A_313 : vector<16xi32>
    %and3A_315 = arith.constant 127 : i32
    %and3A_316 = vector.broadcast %and3A_315 : i32 to vector<16xi32>
    %and3A_317 = arith.andi %and3A_311, %and3A_316 : vector<16xi32>
    %gather3A_318 = tpu.vector_load_idx %arg5[%shift_right_logical3A_314, %and3A_317] : memref<128x128xf32, #tpu.memory_space<vmem>>[vector<16xi32>, vector<16xi32>], vector<16xf32>,
    %swap3A_319 = arith.constant 320 : index
    %swap3A_320 = tpu.vector_load %arg7[%swap3A_319] {strides = array<i32>} : memref<512xf32, #tpu.memory_space<vmem>>, vector<16xf32>,
    tpu.vector_store %arg7[%swap3A_319], %gather3A_318 {strides = array<i32>} : memref<512xf32, #tpu.memory_space<vmem>>, vector<16xf32>,
    %get3A_321 = arith.constant 336 : index
    %get3A_322 = tpu.vector_load %arg6[%get3A_321] {strides = array<i32>} : memref<512xi32, #tpu.memory_space<vmem>>, vector<16xi32>,
    %and3A_323 = arith.constant 16383 : i32
    %and3A_324 = vector.broadcast %and3A_323 : i32 to vector<16xi32>
    %and3A_325 = arith.andi %get3A_322, %and3A_324 : vector<16xi32>
    %shift_right_logical3A_326 = arith.constant 7 : i32
    %shift_right_logical3A_327 = vector.broadcast %shift_right_logical3A_326 : i32 to vector<16xi32>
    %shift_right_logical3A_328 = arith.shrui %and3A_325, %shift_right_logical3A_327 : vector<16xi32>
    %and3A_329 = arith.constant 127 : i32
    %and3A_330 = vector.broadcast %and3A_329 : i32 to vector<16xi32>
    %and3A_331 = arith.andi %and3A_325, %and3A_330 : vector<16xi32>
    %gather3A_332 = tpu.vector_load_idx %arg5[%shift_right_logical3A_328, %and3A_331] : memref<128x128xf32, #tpu.memory_space<vmem>>[vector<16xi32>, vector<16xi32>], vector<16xf32>,
    %swap3A_333 = arith.constant 336 : index
    %swap3A_334 = tpu.vector_load %arg7[%swap3A_333] {strides = array<i32>} : memref<512xf32, #tpu.memory_space<vmem>>, vector<16xf32>,
    tpu.vector_store %arg7[%swap3A_333], %gather3A_332 {strides = array<i32>} : memref<512xf32, #tpu.memory_space<vmem>>, vector<16xf32>,
    %get3A_335 = arith.constant 352 : index
    %get3A_336 = tpu.vector_load %arg6[%get3A_335] {strides = array<i32>} : memref<512xi32, #tpu.memory_space<vmem>>, vector<16xi32>,
    %and3A_337 = arith.constant 16383 : i32
    %and3A_338 = vector.broadcast %and3A_337 : i32 to vector<16xi32>
    %and3A_339 = arith.andi %get3A_336, %and3A_338 : vector<16xi32>
    %shift_right_logical3A_340 = arith.constant 7 : i32
    %shift_right_logical3A_341 = vector.broadcast %shift_right_logical3A_340 : i32 to vector<16xi32>
    %shift_right_logical3A_342 = arith.shrui %and3A_339, %shift_right_logical3A_341 : vector<16xi32>
    %and3A_343 = arith.constant 127 : i32
    %and3A_344 = vector.broadcast %and3A_343 : i32 to vector<16xi32>
    %and3A_345 = arith.andi %and3A_339, %and3A_344 : vector<16xi32>
    %gather3A_346 = tpu.vector_load_idx %arg5[%shift_right_logical3A_342, %and3A_345] : memref<128x128xf32, #tpu.memory_space<vmem>>[vector<16xi32>, vector<16xi32>], vector<16xf32>,
    %swap3A_347 = arith.constant 352 : index
    %swap3A_348 = tpu.vector_load %arg7[%swap3A_347] {strides = array<i32>} : memref<512xf32, #tpu.memory_space<vmem>>, vector<16xf32>,
    tpu.vector_store %arg7[%swap3A_347], %gather3A_346 {strides = array<i32>} : memref<512xf32, #tpu.memory_space<vmem>>, vector<16xf32>,
    %get3A_349 = arith.constant 368 : index
    %get3A_350 = tpu.vector_load %arg6[%get3A_349] {strides = array<i32>} : memref<512xi32, #tpu.memory_space<vmem>>, vector<16xi32>,
    %and3A_351 = arith.constant 16383 : i32
    %and3A_352 = vector.broadcast %and3A_351 : i32 to vector<16xi32>
    %and3A_353 = arith.andi %get3A_350, %and3A_352 : vector<16xi32>
    %shift_right_logical3A_354 = arith.constant 7 : i32
    %shift_right_logical3A_355 = vector.broadcast %shift_right_logical3A_354 : i32 to vector<16xi32>
    %shift_right_logical3A_356 = arith.shrui %and3A_353, %shift_right_logical3A_355 : vector<16xi32>
    %and3A_357 = arith.constant 127 : i32
    %and3A_358 = vector.broadcast %and3A_357 : i32 to vector<16xi32>
    %and3A_359 = arith.andi %and3A_353, %and3A_358 : vector<16xi32>
    %gather3A_360 = tpu.vector_load_idx %arg5[%shift_right_logical3A_356, %and3A_359] : memref<128x128xf32, #tpu.memory_space<vmem>>[vector<16xi32>, vector<16xi32>], vector<16xf32>,
    %swap3A_361 = arith.constant 368 : index
    %swap3A_362 = tpu.vector_load %arg7[%swap3A_361] {strides = array<i32>} : memref<512xf32, #tpu.memory_space<vmem>>, vector<16xf32>,
    tpu.vector_store %arg7[%swap3A_361], %gather3A_360 {strides = array<i32>} : memref<512xf32, #tpu.memory_space<vmem>>, vector<16xf32>,
    %get3A_363 = arith.constant 384 : index
    %get3A_364 = tpu.vector_load %arg6[%get3A_363] {strides = array<i32>} : memref<512xi32, #tpu.memory_space<vmem>>, vector<16xi32>,
    %and3A_365 = arith.constant 16383 : i32
    %and3A_366 = vector.broadcast %and3A_365 : i32 to vector<16xi32>
    %and3A_367 = arith.andi %get3A_364, %and3A_366 : vector<16xi32>
    %shift_right_logical3A_368 = arith.constant 7 : i32
    %shift_right_logical3A_369 = vector.broadcast %shift_right_logical3A_368 : i32 to vector<16xi32>
    %shift_right_logical3A_370 = arith.shrui %and3A_367, %shift_right_logical3A_369 : vector<16xi32>
    %and3A_371 = arith.constant 127 : i32
    %and3A_372 = vector.broadcast %and3A_371 : i32 to vector<16xi32>
    %and3A_373 = arith.andi %and3A_367, %and3A_372 : vector<16xi32>
    %gather3A_374 = tpu.vector_load_idx %arg5[%shift_right_logical3A_370, %and3A_373] : memref<128x128xf32, #tpu.memory_space<vmem>>[vector<16xi32>, vector<16xi32>], vector<16xf32>,
    %swap3A_375 = arith.constant 384 : index
    %swap3A_376 = tpu.vector_load %arg7[%swap3A_375] {strides = array<i32>} : memref<512xf32, #tpu.memory_space<vmem>>, vector<16xf32>,
    tpu.vector_store %arg7[%swap3A_375], %gather3A_374 {strides = array<i32>} : memref<512xf32, #tpu.memory_space<vmem>>, vector<16xf32>,
    %get3A_377 = arith.constant 400 : index
    %get3A_378 = tpu.vector_load %arg6[%get3A_377] {strides = array<i32>} : memref<512xi32, #tpu.memory_space<vmem>>, vector<16xi32>,
    %and3A_379 = arith.constant 16383 : i32
    %and3A_380 = vector.broadcast %and3A_379 : i32 to vector<16xi32>
    %and3A_381 = arith.andi %get3A_378, %and3A_380 : vector<16xi32>
    %shift_right_logical3A_382 = arith.constant 7 : i32
    %shift_right_logical3A_383 = vector.broadcast %shift_right_logical3A_382 : i32 to vector<16xi32>
    %shift_right_logical3A_384 = arith.shrui %and3A_381, %shift_right_logical3A_383 : vector<16xi32>
    %and3A_385 = arith.constant 127 : i32
    %and3A_386 = vector.broadcast %and3A_385 : i32 to vector<16xi32>
    %and3A_387 = arith.andi %and3A_381, %and3A_386 : vector<16xi32>
    %gather3A_388 = tpu.vector_load_idx %arg5[%shift_right_logical3A_384, %and3A_387] : memref<128x128xf32, #tpu.memory_space<vmem>>[vector<16xi32>, vector<16xi32>], vector<16xf32>,
    %swap3A_389 = arith.constant 400 : index
    %swap3A_390 = tpu.vector_load %arg7[%swap3A_389] {strides = array<i32>} : memref<512xf32, #tpu.memory_space<vmem>>, vector<16xf32>,
    tpu.vector_store %arg7[%swap3A_389], %gather3A_388 {strides = array<i32>} : memref<512xf32, #tpu.memory_space<vmem>>, vector<16xf32>,
    %get3A_391 = arith.constant 416 : index
    %get3A_392 = tpu.vector_load %arg6[%get3A_391] {strides = array<i32>} : memref<512xi32, #tpu.memory_space<vmem>>, vector<16xi32>,
    %and3A_393 = arith.constant 16383 : i32
    %and3A_394 = vector.broadcast %and3A_393 : i32 to vector<16xi32>
    %and3A_395 = arith.andi %get3A_392, %and3A_394 : vector<16xi32>
    %shift_right_logical3A_396 = arith.constant 7 : i32
    %shift_right_logical3A_397 = vector.broadcast %shift_right_logical3A_396 : i32 to vector<16xi32>
    %shift_right_logical3A_398 = arith.shrui %and3A_395, %shift_right_logical3A_397 : vector<16xi32>
    %and3A_399 = arith.constant 127 : i32
    %and3A_400 = vector.broadcast %and3A_399 : i32 to vector<16xi32>
    %and3A_401 = arith.andi %and3A_395, %and3A_400 : vector<16xi32>
    %gather3A_402 = tpu.vector_load_idx %arg5[%shift_right_logical3A_398, %and3A_401] : memref<128x128xf32, #tpu.memory_space<vmem>>[vector<16xi32>, vector<16xi32>], vector<16xf32>,
    %swap3A_403 = arith.constant 416 : index
    %swap3A_404 = tpu.vector_load %arg7[%swap3A_403] {strides = array<i32>} : memref<512xf32, #tpu.memory_space<vmem>>, vector<16xf32>,
    tpu.vector_store %arg7[%swap3A_403], %gather3A_402 {strides = array<i32>} : memref<512xf32, #tpu.memory_space<vmem>>, vector<16xf32>,
    %get3A_405 = arith.constant 432 : index
    %get3A_406 = tpu.vector_load %arg6[%get3A_405] {strides = array<i32>} : memref<512xi32, #tpu.memory_space<vmem>>, vector<16xi32>,
    %and3A_407 = arith.constant 16383 : i32
    %and3A_408 = vector.broadcast %and3A_407 : i32 to vector<16xi32>
    %and3A_409 = arith.andi %get3A_406, %and3A_408 : vector<16xi32>
    %shift_right_logical3A_410 = arith.constant 7 : i32
    %shift_right_logical3A_411 = vector.broadcast %shift_right_logical3A_410 : i32 to vector<16xi32>
    %shift_right_logical3A_412 = arith.shrui %and3A_409, %shift_right_logical3A_411 : vector<16xi32>
    %and3A_413 = arith.constant 127 : i32
    %and3A_414 = vector.broadcast %and3A_413 : i32 to vector<16xi32>
    %and3A_415 = arith.andi %and3A_409, %and3A_414 : vector<16xi32>
    %gather3A_416 = tpu.vector_load_idx %arg5[%shift_right_logical3A_412, %and3A_415] : memref<128x128xf32, #tpu.memory_space<vmem>>[vector<16xi32>, vector<16xi32>], vector<16xf32>,
    %swap3A_417 = arith.constant 432 : index
    %swap3A_418 = tpu.vector_load %arg7[%swap3A_417] {strides = array<i32>} : memref<512xf32, #tpu.memory_space<vmem>>, vector<16xf32>,
    tpu.vector_store %arg7[%swap3A_417], %gather3A_416 {strides = array<i32>} : memref<512xf32, #tpu.memory_space<vmem>>, vector<16xf32>,
    %get3A_419 = arith.constant 448 : index
    %get3A_420 = tpu.vector_load %arg6[%get3A_419] {strides = array<i32>} : memref<512xi32, #tpu.memory_space<vmem>>, vector<16xi32>,
    %and3A_421 = arith.constant 16383 : i32
    %and3A_422 = vector.broadcast %and3A_421 : i32 to vector<16xi32>
    %and3A_423 = arith.andi %get3A_420, %and3A_422 : vector<16xi32>
    %shift_right_logical3A_424 = arith.constant 7 : i32
    %shift_right_logical3A_425 = vector.broadcast %shift_right_logical3A_424 : i32 to vector<16xi32>
    %shift_right_logical3A_426 = arith.shrui %and3A_423, %shift_right_logical3A_425 : vector<16xi32>
    %and3A_427 = arith.constant 127 : i32
    %and3A_428 = vector.broadcast %and3A_427 : i32 to vector<16xi32>
    %and3A_429 = arith.andi %and3A_423, %and3A_428 : vector<16xi32>
    %gather3A_430 = tpu.vector_load_idx %arg5[%shift_right_logical3A_426, %and3A_429] : memref<128x128xf32, #tpu.memory_space<vmem>>[vector<16xi32>, vector<16xi32>], vector<16xf32>,
    %swap3A_431 = arith.constant 448 : index
    %swap3A_432 = tpu.vector_load %arg7[%swap3A_431] {strides = array<i32>} : memref<512xf32, #tpu.memory_space<vmem>>, vector<16xf32>,
    tpu.vector_store %arg7[%swap3A_431], %gather3A_430 {strides = array<i32>} : memref<512xf32, #tpu.memory_space<vmem>>, vector<16xf32>,
    %get3A_433 = arith.constant 464 : index
    %get3A_434 = tpu.vector_load %arg6[%get3A_433] {strides = array<i32>} : memref<512xi32, #tpu.memory_space<vmem>>, vector<16xi32>,
    %and3A_435 = arith.constant 16383 : i32
    %and3A_436 = vector.broadcast %and3A_435 : i32 to vector<16xi32>
    %and3A_437 = arith.andi %get3A_434, %and3A_436 : vector<16xi32>
    %shift_right_logical3A_438 = arith.constant 7 : i32
    %shift_right_logical3A_439 = vector.broadcast %shift_right_logical3A_438 : i32 to vector<16xi32>
    %shift_right_logical3A_440 = arith.shrui %and3A_437, %shift_right_logical3A_439 : vector<16xi32>
    %and3A_441 = arith.constant 127 : i32
    %and3A_442 = vector.broadcast %and3A_441 : i32 to vector<16xi32>
    %and3A_443 = arith.andi %and3A_437, %and3A_442 : vector<16xi32>
    %gather3A_444 = tpu.vector_load_idx %arg5[%shift_right_logical3A_440, %and3A_443] : memref<128x128xf32, #tpu.memory_space<vmem>>[vector<16xi32>, vector<16xi32>], vector<16xf32>,
    %swap3A_445 = arith.constant 464 : index
    %swap3A_446 = tpu.vector_load %arg7[%swap3A_445] {strides = array<i32>} : memref<512xf32, #tpu.memory_space<vmem>>, vector<16xf32>,
    tpu.vector_store %arg7[%swap3A_445], %gather3A_444 {strides = array<i32>} : memref<512xf32, #tpu.memory_space<vmem>>, vector<16xf32>,
    %get3A_447 = arith.constant 480 : index
    %get3A_448 = tpu.vector_load %arg6[%get3A_447] {strides = array<i32>} : memref<512xi32, #tpu.memory_space<vmem>>, vector<16xi32>,
    %and3A_449 = arith.constant 16383 : i32
    %and3A_450 = vector.broadcast %and3A_449 : i32 to vector<16xi32>
    %and3A_451 = arith.andi %get3A_448, %and3A_450 : vector<16xi32>
    %shift_right_logical3A_452 = arith.constant 7 : i32
    %shift_right_logical3A_453 = vector.broadcast %shift_right_logical3A_452 : i32 to vector<16xi32>
    %shift_right_logical3A_454 = arith.shrui %and3A_451, %shift_right_logical3A_453 : vector<16xi32>
    %and3A_455 = arith.constant 127 : i32
    %and3A_456 = vector.broadcast %and3A_455 : i32 to vector<16xi32>
    %and3A_457 = arith.andi %and3A_451, %and3A_456 : vector<16xi32>
    %gather3A_458 = tpu.vector_load_idx %arg5[%shift_right_logical3A_454, %and3A_457] : memref<128x128xf32, #tpu.memory_space<vmem>>[vector<16xi32>, vector<16xi32>], vector<16xf32>,
    %swap3A_459 = arith.constant 480 : index
    %swap3A_460 = tpu.vector_load %arg7[%swap3A_459] {strides = array<i32>} : memref<512xf32, #tpu.memory_space<vmem>>, vector<16xf32>,
    tpu.vector_store %arg7[%swap3A_459], %gather3A_458 {strides = array<i32>} : memref<512xf32, #tpu.memory_space<vmem>>, vector<16xf32>,
    %get3A_461 = arith.constant 496 : index
    %get3A_462 = tpu.vector_load %arg6[%get3A_461] {strides = array<i32>} : memref<512xi32, #tpu.memory_space<vmem>>, vector<16xi32>,
    %and3A_463 = arith.constant 16383 : i32
    %and3A_464 = vector.broadcast %and3A_463 : i32 to vector<16xi32>
    %and3A_465 = arith.andi %get3A_462, %and3A_464 : vector<16xi32>
    %shift_right_logical3A_466 = arith.constant 7 : i32
    %shift_right_logical3A_467 = vector.broadcast %shift_right_logical3A_466 : i32 to vector<16xi32>
    %shift_right_logical3A_468 = arith.shrui %and3A_465, %shift_right_logical3A_467 : vector<16xi32>
    %and3A_469 = arith.constant 127 : i32
    %and3A_470 = vector.broadcast %and3A_469 : i32 to vector<16xi32>
    %and3A_471 = arith.andi %and3A_465, %and3A_470 : vector<16xi32>
    %gather3A_472 = tpu.vector_load_idx %arg5[%shift_right_logical3A_468, %and3A_471] : memref<128x128xf32, #tpu.memory_space<vmem>>[vector<16xi32>, vector<16xi32>], vector<16xf32>,
    %swap3A_473 = arith.constant 496 : index
    %swap3A_474 = tpu.vector_load %arg7[%swap3A_473] {strides = array<i32>} : memref<512xf32, #tpu.memory_space<vmem>>, vector<16xf32>,
    tpu.vector_store %arg7[%swap3A_473], %gather3A_472 {strides = array<i32>} : memref<512xf32, #tpu.memory_space<vmem>>, vector<16xf32>,
    "tpu.region"() ({
      %run_scoped3A = tpu.sem_alloc : memref<!tpu.dma_semaphore, #tpu.memory_space<semaphore_mem>>
      %dma_start3A = arith.constant 0 : i32
      %dma_start3A_475 = tpu.memref_slice %arg4[%select_n3A, %select_n3A_30, %dma_start3A] : memref<4x8x512xf32, #tpu.memory_space<hbm>> -> memref<1x1x512xf32, #tpu.memory_space<hbm>>
      %dma_start3A_476 = tpu.memref_squeeze %dma_start3A_475 : memref<1x1x512xf32, #tpu.memory_space<hbm>> -> memref<512xf32, #tpu.memory_space<hbm>>
      %dma_start3A_477 = arith.constant 0 : i32
      %dma_start3A_478 = tpu.memref_slice %arg4[%select_n3A, %select_n3A_30, %dma_start3A_477] : memref<4x8x512xf32, #tpu.memory_space<hbm>> -> memref<1x1x512xf32, #tpu.memory_space<hbm>>
      %dma_start3A_479 = tpu.memref_squeeze %dma_start3A_478 : memref<1x1x512xf32, #tpu.memory_space<hbm>> -> memref<512xf32, #tpu.memory_space<hbm>>
      tpu.enqueue_dma source(%arg7 : memref<512xf32, #tpu.memory_space<vmem>>) target(%dma_start3A_479 : memref<512xf32, #tpu.memory_space<hbm>>) target_semaphore(%run_scoped3A : memref<!tpu.dma_semaphore, #tpu.memory_space<semaphore_mem>>)
      %dma_wait3A = arith.constant 0 : i32
      %dma_wait3A_480 = tpu.memref_slice %arg4[%select_n3A, %select_n3A_30, %dma_wait3A] : memref<4x8x512xf32, #tpu.memory_space<hbm>> -> memref<1x1x512xf32, #tpu.memory_space<hbm>>
      %dma_wait3A_481 = tpu.memref_squeeze %dma_wait3A_480 : memref<1x1x512xf32, #tpu.memory_space<hbm>> -> memref<512xf32, #tpu.memory_space<hbm>>
      %dma_wait3A_482 = arith.constant 0 : i32
      %dma_wait3A_483 = tpu.memref_slice %arg4[%select_n3A, %select_n3A_30, %dma_wait3A_482] : memref<4x8x512xf32, #tpu.memory_space<hbm>> -> memref<1x1x512xf32, #tpu.memory_space<hbm>>
      %dma_wait3A_484 = tpu.memref_squeeze %dma_wait3A_483 : memref<1x1x512xf32, #tpu.memory_space<hbm>> -> memref<512xf32, #tpu.memory_space<hbm>>
      tpu.wait_dma2 semaphore(%run_scoped3A : memref<!tpu.dma_semaphore, #tpu.memory_space<semaphore_mem>>) src(%arg7 : memref<512xf32, #tpu.memory_space<vmem>>) dst(%dma_wait3A_484 : memref<512xf32, #tpu.memory_space<hbm>>)
      tpu.yield
    }) : () -> ()
    return
  }
}

module attributes {stable_mosaic.version = 14 : i64} {
  func.func @_k4_body(%arg0: i32, %arg1: memref<1x8x16384xf32, #tpu.memory_space<vmem>>, %arg2: memref<1x1x512xf32, #tpu.memory_space<vmem>>, %arg3: memref<1x1x512xi32, #tpu.memory_space<vmem>>, %arg4: memref<8x6144xf32, #tpu.memory_space<vmem>>) attributes {dimension_semantics = [#tpu.dimension_semantics<arbitrary>], iteration_bounds = array<i64: 4>, scalar_prefetch = 0 : i64, scratch_operands = 1 : i64, tpu.core_type = #tpu.core_type<tc>, window_params = [{transform_indices = @transform_0, window_bounds = array<i64: 1, 8, 16384>}, {transform_indices = @transform_1, window_bounds = array<i64: 1, 1, 512>}, {transform_indices = @transform_2, window_bounds = array<i64: 1, 1, 512>}]} {
    %get3A = arith.constant 0 : index
    %get3A_0 = arith.constant 0 : index
    %get3A_1 = arith.constant 0 : index
    %get3A_2 = vector.load %arg1[%get3A, %get3A_0, %get3A_1] : memref<1x8x16384xf32, #tpu.memory_space<vmem>>, vector<1x1x2048xf32>
    %get3A_3 = vector.shape_cast %get3A_2 : vector<1x1x2048xf32> to vector<1x2048xf32>
    %swap3A = arith.constant 0 : index
    %swap3A_4 = arith.constant 0 : index
    %swap3A_5 = vector.load %arg4[%swap3A, %swap3A_4] : memref<8x6144xf32, #tpu.memory_space<vmem>>, vector<1x2048xf32>
    tpu.vector_store %arg4[%swap3A, %swap3A_4], %get3A_3 {strides = array<i32>} : memref<8x6144xf32, #tpu.memory_space<vmem>>, vector<1x2048xf32>,
    %get3A_6 = arith.constant 0 : index
    %get3A_7 = arith.constant 0 : index
    %get3A_8 = arith.constant 2048 : index
    %get3A_9 = vector.load %arg1[%get3A_6, %get3A_7, %get3A_8] : memref<1x8x16384xf32, #tpu.memory_space<vmem>>, vector<1x1x2048xf32>
    %get3A_10 = vector.shape_cast %get3A_9 : vector<1x1x2048xf32> to vector<1x2048xf32>
    %swap3A_11 = arith.constant 0 : index
    %swap3A_12 = arith.constant 2048 : index
    %swap3A_13 = vector.load %arg4[%swap3A_11, %swap3A_12] : memref<8x6144xf32, #tpu.memory_space<vmem>>, vector<1x2048xf32>
    tpu.vector_store %arg4[%swap3A_11, %swap3A_12], %get3A_10 {strides = array<i32>} : memref<8x6144xf32, #tpu.memory_space<vmem>>, vector<1x2048xf32>,
    %get3A_14 = arith.constant 0 : index
    %get3A_15 = arith.constant 0 : index
    %get3A_16 = arith.constant 4096 : index
    %get3A_17 = vector.load %arg1[%get3A_14, %get3A_15, %get3A_16] : memref<1x8x16384xf32, #tpu.memory_space<vmem>>, vector<1x1x2048xf32>
    %get3A_18 = vector.shape_cast %get3A_17 : vector<1x1x2048xf32> to vector<1x2048xf32>
    %swap3A_19 = arith.constant 0 : index
    %swap3A_20 = arith.constant 4096 : index
    %swap3A_21 = vector.load %arg4[%swap3A_19, %swap3A_20] : memref<8x6144xf32, #tpu.memory_space<vmem>>, vector<1x2048xf32>
    tpu.vector_store %arg4[%swap3A_19, %swap3A_20], %get3A_18 {strides = array<i32>} : memref<8x6144xf32, #tpu.memory_space<vmem>>, vector<1x2048xf32>,
    %get3A_22 = arith.constant 0 : index
    %get3A_23 = arith.constant 0 : index
    %get3A_24 = arith.constant 6144 : index
    %get3A_25 = vector.load %arg1[%get3A_22, %get3A_23, %get3A_24] : memref<1x8x16384xf32, #tpu.memory_space<vmem>>, vector<1x1x2048xf32>
    %get3A_26 = vector.shape_cast %get3A_25 : vector<1x1x2048xf32> to vector<1x2048xf32>
    %swap3A_27 = arith.constant 1 : index
    %swap3A_28 = arith.constant 0 : index
    %swap3A_29 = vector.load %arg4[%swap3A_27, %swap3A_28] : memref<8x6144xf32, #tpu.memory_space<vmem>>, vector<1x2048xf32>
    tpu.vector_store %arg4[%swap3A_27, %swap3A_28], %get3A_26 {strides = array<i32>} : memref<8x6144xf32, #tpu.memory_space<vmem>>, vector<1x2048xf32>,
    %get3A_30 = arith.constant 0 : index
    %get3A_31 = arith.constant 0 : index
    %get3A_32 = arith.constant 8192 : index
    %get3A_33 = vector.load %arg1[%get3A_30, %get3A_31, %get3A_32] : memref<1x8x16384xf32, #tpu.memory_space<vmem>>, vector<1x1x2048xf32>
    %get3A_34 = vector.shape_cast %get3A_33 : vector<1x1x2048xf32> to vector<1x2048xf32>
    %swap3A_35 = arith.constant 1 : index
    %swap3A_36 = arith.constant 2048 : index
    %swap3A_37 = vector.load %arg4[%swap3A_35, %swap3A_36] : memref<8x6144xf32, #tpu.memory_space<vmem>>, vector<1x2048xf32>
    tpu.vector_store %arg4[%swap3A_35, %swap3A_36], %get3A_34 {strides = array<i32>} : memref<8x6144xf32, #tpu.memory_space<vmem>>, vector<1x2048xf32>,
    %get3A_38 = arith.constant 0 : index
    %get3A_39 = arith.constant 0 : index
    %get3A_40 = arith.constant 10240 : index
    %get3A_41 = vector.load %arg1[%get3A_38, %get3A_39, %get3A_40] : memref<1x8x16384xf32, #tpu.memory_space<vmem>>, vector<1x1x2048xf32>
    %get3A_42 = vector.shape_cast %get3A_41 : vector<1x1x2048xf32> to vector<1x2048xf32>
    %swap3A_43 = arith.constant 1 : index
    %swap3A_44 = arith.constant 4096 : index
    %swap3A_45 = vector.load %arg4[%swap3A_43, %swap3A_44] : memref<8x6144xf32, #tpu.memory_space<vmem>>, vector<1x2048xf32>
    tpu.vector_store %arg4[%swap3A_43, %swap3A_44], %get3A_42 {strides = array<i32>} : memref<8x6144xf32, #tpu.memory_space<vmem>>, vector<1x2048xf32>,
    %get3A_46 = arith.constant 0 : index
    %get3A_47 = arith.constant 0 : index
    %get3A_48 = arith.constant 12288 : index
    %get3A_49 = vector.load %arg1[%get3A_46, %get3A_47, %get3A_48] : memref<1x8x16384xf32, #tpu.memory_space<vmem>>, vector<1x1x2048xf32>
    %get3A_50 = vector.shape_cast %get3A_49 : vector<1x1x2048xf32> to vector<1x2048xf32>
    %swap3A_51 = arith.constant 2 : index
    %swap3A_52 = arith.constant 0 : index
    %swap3A_53 = vector.load %arg4[%swap3A_51, %swap3A_52] : memref<8x6144xf32, #tpu.memory_space<vmem>>, vector<1x2048xf32>
    tpu.vector_store %arg4[%swap3A_51, %swap3A_52], %get3A_50 {strides = array<i32>} : memref<8x6144xf32, #tpu.memory_space<vmem>>, vector<1x2048xf32>,
    %get3A_54 = arith.constant 0 : index
    %get3A_55 = arith.constant 0 : index
    %get3A_56 = arith.constant 14336 : index
    %get3A_57 = vector.load %arg1[%get3A_54, %get3A_55, %get3A_56] : memref<1x8x16384xf32, #tpu.memory_space<vmem>>, vector<1x1x2048xf32>
    %get3A_58 = vector.shape_cast %get3A_57 : vector<1x1x2048xf32> to vector<1x2048xf32>
    %swap3A_59 = arith.constant 2 : index
    %swap3A_60 = arith.constant 2048 : index
    %swap3A_61 = vector.load %arg4[%swap3A_59, %swap3A_60] : memref<8x6144xf32, #tpu.memory_space<vmem>>, vector<1x2048xf32>
    tpu.vector_store %arg4[%swap3A_59, %swap3A_60], %get3A_58 {strides = array<i32>} : memref<8x6144xf32, #tpu.memory_space<vmem>>, vector<1x2048xf32>,
    %get3A_62 = arith.constant 0 : index
    %get3A_63 = arith.constant 1 : index
    %get3A_64 = arith.constant 0 : index
    %get3A_65 = vector.load %arg1[%get3A_62, %get3A_63, %get3A_64] : memref<1x8x16384xf32, #tpu.memory_space<vmem>>, vector<1x1x2048xf32>
    %get3A_66 = vector.shape_cast %get3A_65 : vector<1x1x2048xf32> to vector<1x2048xf32>
    %swap3A_67 = arith.constant 2 : index
    %swap3A_68 = arith.constant 4096 : index
    %swap3A_69 = vector.load %arg4[%swap3A_67, %swap3A_68] : memref<8x6144xf32, #tpu.memory_space<vmem>>, vector<1x2048xf32>
    tpu.vector_store %arg4[%swap3A_67, %swap3A_68], %get3A_66 {strides = array<i32>} : memref<8x6144xf32, #tpu.memory_space<vmem>>, vector<1x2048xf32>,
    %get3A_70 = arith.constant 0 : index
    %get3A_71 = arith.constant 1 : index
    %get3A_72 = arith.constant 2048 : index
    %get3A_73 = vector.load %arg1[%get3A_70, %get3A_71, %get3A_72] : memref<1x8x16384xf32, #tpu.memory_space<vmem>>, vector<1x1x2048xf32>
    %get3A_74 = vector.shape_cast %get3A_73 : vector<1x1x2048xf32> to vector<1x2048xf32>
    %swap3A_75 = arith.constant 3 : index
    %swap3A_76 = arith.constant 0 : index
    %swap3A_77 = vector.load %arg4[%swap3A_75, %swap3A_76] : memref<8x6144xf32, #tpu.memory_space<vmem>>, vector<1x2048xf32>
    tpu.vector_store %arg4[%swap3A_75, %swap3A_76], %get3A_74 {strides = array<i32>} : memref<8x6144xf32, #tpu.memory_space<vmem>>, vector<1x2048xf32>,
    %get3A_78 = arith.constant 0 : index
    %get3A_79 = arith.constant 1 : index
    %get3A_80 = arith.constant 4096 : index
    %get3A_81 = vector.load %arg1[%get3A_78, %get3A_79, %get3A_80] : memref<1x8x16384xf32, #tpu.memory_space<vmem>>, vector<1x1x2048xf32>
    %get3A_82 = vector.shape_cast %get3A_81 : vector<1x1x2048xf32> to vector<1x2048xf32>
    %swap3A_83 = arith.constant 3 : index
    %swap3A_84 = arith.constant 2048 : index
    %swap3A_85 = vector.load %arg4[%swap3A_83, %swap3A_84] : memref<8x6144xf32, #tpu.memory_space<vmem>>, vector<1x2048xf32>
    tpu.vector_store %arg4[%swap3A_83, %swap3A_84], %get3A_82 {strides = array<i32>} : memref<8x6144xf32, #tpu.memory_space<vmem>>, vector<1x2048xf32>,
    %get3A_86 = arith.constant 0 : index
    %get3A_87 = arith.constant 1 : index
    %get3A_88 = arith.constant 6144 : index
    %get3A_89 = vector.load %arg1[%get3A_86, %get3A_87, %get3A_88] : memref<1x8x16384xf32, #tpu.memory_space<vmem>>, vector<1x1x2048xf32>
    %get3A_90 = vector.shape_cast %get3A_89 : vector<1x1x2048xf32> to vector<1x2048xf32>
    %swap3A_91 = arith.constant 3 : index
    %swap3A_92 = arith.constant 4096 : index
    %swap3A_93 = vector.load %arg4[%swap3A_91, %swap3A_92] : memref<8x6144xf32, #tpu.memory_space<vmem>>, vector<1x2048xf32>
    tpu.vector_store %arg4[%swap3A_91, %swap3A_92], %get3A_90 {strides = array<i32>} : memref<8x6144xf32, #tpu.memory_space<vmem>>, vector<1x2048xf32>,
    %get3A_94 = arith.constant 0 : index
    %get3A_95 = arith.constant 1 : index
    %get3A_96 = arith.constant 8192 : index
    %get3A_97 = vector.load %arg1[%get3A_94, %get3A_95, %get3A_96] : memref<1x8x16384xf32, #tpu.memory_space<vmem>>, vector<1x1x2048xf32>
    %get3A_98 = vector.shape_cast %get3A_97 : vector<1x1x2048xf32> to vector<1x2048xf32>
    %swap3A_99 = arith.constant 4 : index
    %swap3A_100 = arith.constant 0 : index
    %swap3A_101 = vector.load %arg4[%swap3A_99, %swap3A_100] : memref<8x6144xf32, #tpu.memory_space<vmem>>, vector<1x2048xf32>
    tpu.vector_store %arg4[%swap3A_99, %swap3A_100], %get3A_98 {strides = array<i32>} : memref<8x6144xf32, #tpu.memory_space<vmem>>, vector<1x2048xf32>,
    %get3A_102 = arith.constant 0 : index
    %get3A_103 = arith.constant 1 : index
    %get3A_104 = arith.constant 10240 : index
    %get3A_105 = vector.load %arg1[%get3A_102, %get3A_103, %get3A_104] : memref<1x8x16384xf32, #tpu.memory_space<vmem>>, vector<1x1x2048xf32>
    %get3A_106 = vector.shape_cast %get3A_105 : vector<1x1x2048xf32> to vector<1x2048xf32>
    %swap3A_107 = arith.constant 4 : index
    %swap3A_108 = arith.constant 2048 : index
    %swap3A_109 = vector.load %arg4[%swap3A_107, %swap3A_108] : memref<8x6144xf32, #tpu.memory_space<vmem>>, vector<1x2048xf32>
    tpu.vector_store %arg4[%swap3A_107, %swap3A_108], %get3A_106 {strides = array<i32>} : memref<8x6144xf32, #tpu.memory_space<vmem>>, vector<1x2048xf32>,
    %get3A_110 = arith.constant 0 : index
    %get3A_111 = arith.constant 1 : index
    %get3A_112 = arith.constant 12288 : index
    %get3A_113 = vector.load %arg1[%get3A_110, %get3A_111, %get3A_112] : memref<1x8x16384xf32, #tpu.memory_space<vmem>>, vector<1x1x2048xf32>
    %get3A_114 = vector.shape_cast %get3A_113 : vector<1x1x2048xf32> to vector<1x2048xf32>
    %swap3A_115 = arith.constant 4 : index
    %swap3A_116 = arith.constant 4096 : index
    %swap3A_117 = vector.load %arg4[%swap3A_115, %swap3A_116] : memref<8x6144xf32, #tpu.memory_space<vmem>>, vector<1x2048xf32>
    tpu.vector_store %arg4[%swap3A_115, %swap3A_116], %get3A_114 {strides = array<i32>} : memref<8x6144xf32, #tpu.memory_space<vmem>>, vector<1x2048xf32>,
    %get3A_118 = arith.constant 0 : index
    %get3A_119 = arith.constant 1 : index
    %get3A_120 = arith.constant 14336 : index
    %get3A_121 = vector.load %arg1[%get3A_118, %get3A_119, %get3A_120] : memref<1x8x16384xf32, #tpu.memory_space<vmem>>, vector<1x1x2048xf32>
    %get3A_122 = vector.shape_cast %get3A_121 : vector<1x1x2048xf32> to vector<1x2048xf32>
    %swap3A_123 = arith.constant 5 : index
    %swap3A_124 = arith.constant 0 : index
    %swap3A_125 = vector.load %arg4[%swap3A_123, %swap3A_124] : memref<8x6144xf32, #tpu.memory_space<vmem>>, vector<1x2048xf32>
    tpu.vector_store %arg4[%swap3A_123, %swap3A_124], %get3A_122 {strides = array<i32>} : memref<8x6144xf32, #tpu.memory_space<vmem>>, vector<1x2048xf32>,
    %get3A_126 = arith.constant 0 : index
    %get3A_127 = arith.constant 2 : index
    %get3A_128 = arith.constant 0 : index
    %get3A_129 = vector.load %arg1[%get3A_126, %get3A_127, %get3A_128] : memref<1x8x16384xf32, #tpu.memory_space<vmem>>, vector<1x1x2048xf32>
    %get3A_130 = vector.shape_cast %get3A_129 : vector<1x1x2048xf32> to vector<1x2048xf32>
    %swap3A_131 = arith.constant 5 : index
    %swap3A_132 = arith.constant 2048 : index
    %swap3A_133 = vector.load %arg4[%swap3A_131, %swap3A_132] : memref<8x6144xf32, #tpu.memory_space<vmem>>, vector<1x2048xf32>
    tpu.vector_store %arg4[%swap3A_131, %swap3A_132], %get3A_130 {strides = array<i32>} : memref<8x6144xf32, #tpu.memory_space<vmem>>, vector<1x2048xf32>,
    %get3A_134 = arith.constant 0 : index
    %get3A_135 = arith.constant 2 : index
    %get3A_136 = arith.constant 2048 : index
    %get3A_137 = vector.load %arg1[%get3A_134, %get3A_135, %get3A_136] : memref<1x8x16384xf32, #tpu.memory_space<vmem>>, vector<1x1x2048xf32>
    %get3A_138 = vector.shape_cast %get3A_137 : vector<1x1x2048xf32> to vector<1x2048xf32>
    %swap3A_139 = arith.constant 5 : index
    %swap3A_140 = arith.constant 4096 : index
    %swap3A_141 = vector.load %arg4[%swap3A_139, %swap3A_140] : memref<8x6144xf32, #tpu.memory_space<vmem>>, vector<1x2048xf32>
    tpu.vector_store %arg4[%swap3A_139, %swap3A_140], %get3A_138 {strides = array<i32>} : memref<8x6144xf32, #tpu.memory_space<vmem>>, vector<1x2048xf32>,
    %get3A_142 = arith.constant 0 : index
    %get3A_143 = arith.constant 2 : index
    %get3A_144 = arith.constant 4096 : index
    %get3A_145 = vector.load %arg1[%get3A_142, %get3A_143, %get3A_144] : memref<1x8x16384xf32, #tpu.memory_space<vmem>>, vector<1x1x2048xf32>
    %get3A_146 = vector.shape_cast %get3A_145 : vector<1x1x2048xf32> to vector<1x2048xf32>
    %swap3A_147 = arith.constant 6 : index
    %swap3A_148 = arith.constant 0 : index
    %swap3A_149 = vector.load %arg4[%swap3A_147, %swap3A_148] : memref<8x6144xf32, #tpu.memory_space<vmem>>, vector<1x2048xf32>
    tpu.vector_store %arg4[%swap3A_147, %swap3A_148], %get3A_146 {strides = array<i32>} : memref<8x6144xf32, #tpu.memory_space<vmem>>, vector<1x2048xf32>,
    %get3A_150 = arith.constant 0 : index
    %get3A_151 = arith.constant 2 : index
    %get3A_152 = arith.constant 6144 : index
    %get3A_153 = vector.load %arg1[%get3A_150, %get3A_151, %get3A_152] : memref<1x8x16384xf32, #tpu.memory_space<vmem>>, vector<1x1x2048xf32>
    %get3A_154 = vector.shape_cast %get3A_153 : vector<1x1x2048xf32> to vector<1x2048xf32>
    %swap3A_155 = arith.constant 6 : index
    %swap3A_156 = arith.constant 2048 : index
    %swap3A_157 = vector.load %arg4[%swap3A_155, %swap3A_156] : memref<8x6144xf32, #tpu.memory_space<vmem>>, vector<1x2048xf32>
    tpu.vector_store %arg4[%swap3A_155, %swap3A_156], %get3A_154 {strides = array<i32>} : memref<8x6144xf32, #tpu.memory_space<vmem>>, vector<1x2048xf32>,
    %get3A_158 = arith.constant 0 : index
    %get3A_159 = arith.constant 2 : index
    %get3A_160 = arith.constant 8192 : index
    %get3A_161 = vector.load %arg1[%get3A_158, %get3A_159, %get3A_160] : memref<1x8x16384xf32, #tpu.memory_space<vmem>>, vector<1x1x2048xf32>
    %get3A_162 = vector.shape_cast %get3A_161 : vector<1x1x2048xf32> to vector<1x2048xf32>
    %swap3A_163 = arith.constant 6 : index
    %swap3A_164 = arith.constant 4096 : index
    %swap3A_165 = vector.load %arg4[%swap3A_163, %swap3A_164] : memref<8x6144xf32, #tpu.memory_space<vmem>>, vector<1x2048xf32>
    tpu.vector_store %arg4[%swap3A_163, %swap3A_164], %get3A_162 {strides = array<i32>} : memref<8x6144xf32, #tpu.memory_space<vmem>>, vector<1x2048xf32>,
    %get3A_166 = arith.constant 0 : index
    %get3A_167 = arith.constant 2 : index
    %get3A_168 = arith.constant 10240 : index
    %get3A_169 = vector.load %arg1[%get3A_166, %get3A_167, %get3A_168] : memref<1x8x16384xf32, #tpu.memory_space<vmem>>, vector<1x1x2048xf32>
    %get3A_170 = vector.shape_cast %get3A_169 : vector<1x1x2048xf32> to vector<1x2048xf32>
    %swap3A_171 = arith.constant 7 : index
    %swap3A_172 = arith.constant 0 : index
    %swap3A_173 = vector.load %arg4[%swap3A_171, %swap3A_172] : memref<8x6144xf32, #tpu.memory_space<vmem>>, vector<1x2048xf32>
    tpu.vector_store %arg4[%swap3A_171, %swap3A_172], %get3A_170 {strides = array<i32>} : memref<8x6144xf32, #tpu.memory_space<vmem>>, vector<1x2048xf32>,
    %get3A_174 = arith.constant 0 : index
    %get3A_175 = arith.constant 2 : index
    %get3A_176 = arith.constant 12288 : index
    %get3A_177 = vector.load %arg1[%get3A_174, %get3A_175, %get3A_176] : memref<1x8x16384xf32, #tpu.memory_space<vmem>>, vector<1x1x2048xf32>
    %get3A_178 = vector.shape_cast %get3A_177 : vector<1x1x2048xf32> to vector<1x2048xf32>
    %swap3A_179 = arith.constant 7 : index
    %swap3A_180 = arith.constant 2048 : index
    %swap3A_181 = vector.load %arg4[%swap3A_179, %swap3A_180] : memref<8x6144xf32, #tpu.memory_space<vmem>>, vector<1x2048xf32>
    tpu.vector_store %arg4[%swap3A_179, %swap3A_180], %get3A_178 {strides = array<i32>} : memref<8x6144xf32, #tpu.memory_space<vmem>>, vector<1x2048xf32>,
    %get3A_182 = arith.constant 0 : index
    %get3A_183 = arith.constant 2 : index
    %get3A_184 = arith.constant 14336 : index
    %get3A_185 = vector.load %arg1[%get3A_182, %get3A_183, %get3A_184] : memref<1x8x16384xf32, #tpu.memory_space<vmem>>, vector<1x1x2048xf32>
    %get3A_186 = vector.shape_cast %get3A_185 : vector<1x1x2048xf32> to vector<1x2048xf32>
    %swap3A_187 = arith.constant 7 : index
    %swap3A_188 = arith.constant 4096 : index
    %swap3A_189 = vector.load %arg4[%swap3A_187, %swap3A_188] : memref<8x6144xf32, #tpu.memory_space<vmem>>, vector<1x2048xf32>
    tpu.vector_store %arg4[%swap3A_187, %swap3A_188], %get3A_186 {strides = array<i32>} : memref<8x6144xf32, #tpu.memory_space<vmem>>, vector<1x2048xf32>,
    %iota3A = tpu.iota {dimensions = array<i32: 0>} : vector<8x6144xi32>
    %mul3A = arith.constant 6144 : i32
    %mul3A_190 = vector.broadcast %mul3A : i32 to vector<8x6144xi32>
    %mul3A_191 = arith.muli %iota3A, %mul3A_190 : vector<8x6144xi32>
    %iota3A_192 = tpu.iota {dimensions = array<i32: 1>} : vector<8x6144xi32>
    %add3A = arith.addi %mul3A_191, %iota3A_192 : vector<8x6144xi32>
    %convert_element_type3A = arith.sitofp %add3A : vector<8x6144xi32> to vector<8x6144xf32>
    %iota3A_193 = tpu.iota {dimensions = array<i32: 2>} : vector<1x1x512xi32>
    %broadcast_in_dim3A = arith.constant -1.000000e+09 : f32
    %broadcast_in_dim3A_194 = vector.broadcast %broadcast_in_dim3A : f32 to vector<1x1x512xf32>
    %swap3A_195 = arith.constant 0 : index
    %swap3A_196 = arith.constant 0 : index
    %swap3A_197 = arith.constant 0 : index
    %swap3A_198 = vector.load %arg2[%swap3A_195, %swap3A_196, %swap3A_197] : memref<1x1x512xf32, #tpu.memory_space<vmem>>, vector<1x1x512xf32>
    tpu.vector_store %arg2[%swap3A_195, %swap3A_196, %swap3A_197], %broadcast_in_dim3A_194 {strides = array<i32>} : memref<1x1x512xf32, #tpu.memory_space<vmem>>, vector<1x1x512xf32>,
    %broadcast_in_dim3A_199 = arith.constant 0 : i32
    %broadcast_in_dim3A_200 = vector.broadcast %broadcast_in_dim3A_199 : i32 to vector<1x1x512xi32>
    %swap3A_201 = arith.constant 0 : index
    %swap3A_202 = arith.constant 0 : index
    %swap3A_203 = arith.constant 0 : index
    %swap3A_204 = vector.load %arg3[%swap3A_201, %swap3A_202, %swap3A_203] : memref<1x1x512xi32, #tpu.memory_space<vmem>>, vector<1x1x512xi32>
    tpu.vector_store %arg3[%swap3A_201, %swap3A_202, %swap3A_203], %broadcast_in_dim3A_200 {strides = array<i32>} : memref<1x1x512xi32, #tpu.memory_space<vmem>>, vector<1x1x512xi32>,
    %scan3A = arith.constant 0 : i32
    %scan3A_205 = arith.constant 500 : i32
    %scan3A_206 = arith.addi %scan3A, %scan3A_205 : i32
    %scan3A_207 = arith.constant 1 : i32
    scf.for %scan3A_209 = %scan3A to %scan3A_206 step %scan3A_207  : i32 {
      %get3A_210 = arith.constant 0 : index
      %get3A_211 = arith.constant 0 : index
      %get3A_212 = vector.load %arg4[%get3A_210, %get3A_211] : memref<8x6144xf32, #tpu.memory_space<vmem>>, vector<8x6144xf32>
      %reduce_max3A = vector.shape_cast %get3A_212 : vector<8x6144xf32> to vector<1x8x6144xf32>
      %reduce_max3A_213 = arith.constant dense<0xFF800000> : vector<1xf32>
      %reduce_max3A_214 = vector.multi_reduction <maximumf>, %reduce_max3A, %reduce_max3A_213 [1, 2] : vector<1x8x6144xf32> to vector<1xf32>
      %reduce_max3A_215 = vector.shape_cast %reduce_max3A_214 : vector<1xf32> to vector<1x1x1xf32>
      %reduce_max3A_216 = vector.extract %reduce_max3A_215[0, 0, 0] : f32 from vector<1x1x1xf32>
      %eq3A = vector.broadcast %reduce_max3A_216 : f32 to vector<8x6144xf32>
      %eq3A_217 = arith.cmpf oeq, %get3A_212, %eq3A : vector<8x6144xf32>
      %jit3A = arith.constant 1.000000e+09 : f32
      %broadcast_in_dim3A_218 = vector.broadcast %jit3A : f32 to vector<8x6144xf32>
      %select_n3A = arith.select %eq3A_217, %convert_element_type3A, %broadcast_in_dim3A_218 : vector<8x6144xi1>, vector<8x6144xf32>
      %reduce_min3A = vector.shape_cast %select_n3A : vector<8x6144xf32> to vector<1x8x6144xf32>
      %reduce_min3A_219 = arith.constant dense<0x7F800000> : vector<1xf32>
      %reduce_min3A_220 = vector.multi_reduction <minimumf>, %reduce_min3A, %reduce_min3A_219 [1, 2] : vector<1x8x6144xf32> to vector<1xf32>
      %reduce_min3A_221 = vector.shape_cast %reduce_min3A_220 : vector<1xf32> to vector<1x1x1xf32>
      %reduce_min3A_222 = vector.extract %reduce_min3A_221[0, 0, 0] : f32 from vector<1x1x1xf32>
      %eq3A_223 = vector.broadcast %scan3A_209 : i32 to vector<1x1x512xi32>
      %eq3A_224 = arith.cmpi eq, %iota3A_193, %eq3A_223 : vector<1x1x512xi32>
      %get3A_225 = arith.constant 0 : index
      %get3A_226 = arith.constant 0 : index
      %get3A_227 = arith.constant 0 : index
      %get3A_228 = vector.load %arg2[%get3A_225, %get3A_226, %get3A_227] : memref<1x1x512xf32, #tpu.memory_space<vmem>>, vector<1x1x512xf32>
      %broadcast_in_dim3A_229 = vector.broadcast %reduce_max3A_216 : f32 to vector<1x1x512xf32>
      %select_n3A_230 = arith.select %eq3A_224, %broadcast_in_dim3A_229, %get3A_228 : vector<1x1x512xi1>, vector<1x1x512xf32>
      %swap3A_231 = arith.constant 0 : index
      %swap3A_232 = arith.constant 0 : index
      %swap3A_233 = arith.constant 0 : index
      %swap3A_234 = vector.load %arg2[%swap3A_231, %swap3A_232, %swap3A_233] : memref<1x1x512xf32, #tpu.memory_space<vmem>>, vector<1x1x512xf32>
      tpu.vector_store %arg2[%swap3A_231, %swap3A_232, %swap3A_233], %select_n3A_230 {strides = array<i32>} : memref<1x1x512xf32, #tpu.memory_space<vmem>>, vector<1x1x512xf32>,
      %eq3A_235 = vector.broadcast %scan3A_209 : i32 to vector<1x1x512xi32>
      %eq3A_236 = arith.cmpi eq, %iota3A_193, %eq3A_235 : vector<1x1x512xi32>
      %convert_element_type3A_237 = arith.fptosi %reduce_min3A_222 : f32 to i32
      %get3A_238 = arith.constant 0 : index
      %get3A_239 = arith.constant 0 : index
      %get3A_240 = arith.constant 0 : index
      %get3A_241 = vector.load %arg3[%get3A_238, %get3A_239, %get3A_240] : memref<1x1x512xi32, #tpu.memory_space<vmem>>, vector<1x1x512xi32>
      %broadcast_in_dim3A_242 = vector.broadcast %convert_element_type3A_237 : i32 to vector<1x1x512xi32>
      %select_n3A_243 = arith.select %eq3A_236, %broadcast_in_dim3A_242, %get3A_241 : vector<1x1x512xi1>, vector<1x1x512xi32>
      %swap3A_244 = arith.constant 0 : index
      %swap3A_245 = arith.constant 0 : index
      %swap3A_246 = arith.constant 0 : index
      %swap3A_247 = vector.load %arg3[%swap3A_244, %swap3A_245, %swap3A_246] : memref<1x1x512xi32, #tpu.memory_space<vmem>>, vector<1x1x512xi32>
      tpu.vector_store %arg3[%swap3A_244, %swap3A_245, %swap3A_246], %select_n3A_243 {strides = array<i32>} : memref<1x1x512xi32, #tpu.memory_space<vmem>>, vector<1x1x512xi32>,
      %eq3A_248 = vector.broadcast %reduce_min3A_222 : f32 to vector<8x6144xf32>
      %eq3A_249 = arith.cmpf oeq, %convert_element_type3A, %eq3A_248 : vector<8x6144xf32>
      %jit3A_250 = arith.constant -1.000000e+00 : f32
      %broadcast_in_dim3A_251 = vector.broadcast %jit3A_250 : f32 to vector<8x6144xf32>
      %select_n3A_252 = arith.select %eq3A_249, %broadcast_in_dim3A_251, %get3A_212 : vector<8x6144xi1>, vector<8x6144xf32>
      %swap3A_253 = arith.constant 0 : index
      %swap3A_254 = arith.constant 0 : index
      %swap3A_255 = vector.load %arg4[%swap3A_253, %swap3A_254] : memref<8x6144xf32, #tpu.memory_space<vmem>>, vector<8x6144xf32>
      tpu.vector_store %arg4[%swap3A_253, %swap3A_254], %select_n3A_252 {strides = array<i32>} : memref<8x6144xf32, #tpu.memory_space<vmem>>, vector<8x6144xf32>,
    }
    %scan3A_208 = arith.constant 500 : i32
    return
  }
  func.func @transform_0(%arg0: i32) -> (i32, i32, i32) {
    %c0_i32 = arith.constant 0 : i32
    %c0_i32_0 = arith.constant 0 : i32
    %c0_i32_1 = arith.constant 0 : i32
    return %arg0, %c0_i32, %c0_i32_0 : i32, i32, i32
  }
  func.func @transform_1(%arg0: i32) -> (i32, i32, i32) {
    %c0_i32 = arith.constant 0 : i32
    %c0_i32_0 = arith.constant 0 : i32
    %c0_i32_1 = arith.constant 0 : i32
    return %arg0, %c0_i32, %c0_i32_0 : i32, i32, i32
  }
  func.func @transform_2(%arg0: i32) -> (i32, i32, i32) {
    %c0_i32 = arith.constant 0 : i32
    %c0_i32_0 = arith.constant 0 : i32
    %c0_i32_1 = arith.constant 0 : i32
    return %arg0, %c0_i32, %c0_i32_0 : i32, i32, i32
  }
}

module attributes {stable_mosaic.version = 14 : i64} {
  func.func @_k6_body(%arg0: i32, %arg1: memref<1x16x512xf32, #tpu.memory_space<vmem>>, %arg2: memref<1x1x512xf32, #tpu.memory_space<vmem>>, %arg3: memref<1x8x512xf32, #tpu.memory_space<vmem>>, %arg4: memref<1x512x512xf32, #tpu.memory_space<vmem>>, %arg5: memref<1x512x16xf32, #tpu.memory_space<vmem>>, %arg6: memref<8x512xf32, #tpu.memory_space<vmem>>) attributes {dimension_semantics = [#tpu.dimension_semantics<arbitrary>], iteration_bounds = array<i64: 4>, scalar_prefetch = 0 : i64, scratch_operands = 1 : i64, tpu.core_type = #tpu.core_type<tc>, window_params = [{transform_indices = @transform_0, window_bounds = array<i64: 1, 16, 512>}, {transform_indices = @transform_1, window_bounds = array<i64: 1, 1, 512>}, {transform_indices = @transform_2, window_bounds = array<i64: 1, 8, 512>}, {transform_indices = @transform_3, window_bounds = array<i64: 1, 512, 512>}, {transform_indices = @transform_4, window_bounds = array<i64: 1, 512, 16>}]} {
    %get3A = arith.constant 0 : index
    %get3A_0 = arith.constant 0 : index
    %get3A_1 = arith.constant 0 : index
    %get3A_2 = vector.load %arg2[%get3A, %get3A_0, %get3A_1] : memref<1x1x512xf32, #tpu.memory_space<vmem>>, vector<1x1x512xf32>
    %get3A_3 = vector.shape_cast %get3A_2 : vector<1x1x512xf32> to vector<1x512xf32>
    %get3A_4 = arith.constant 0 : index
    %get3A_5 = arith.constant 0 : index
    %get3A_6 = arith.constant 0 : index
    %get3A_7 = vector.load %arg3[%get3A_4, %get3A_5, %get3A_6] : memref<1x8x512xf32, #tpu.memory_space<vmem>>, vector<1x8x512xf32>
    %get3A_8 = vector.shape_cast %get3A_7 : vector<1x8x512xf32> to vector<8x512xf32>
    %broadcast_in_dim3A = arith.constant 1.000000e+00 : f32
    %broadcast_in_dim3A_9 = vector.broadcast %broadcast_in_dim3A : f32 to vector<8x512xf32>
    %swap3A = arith.constant 0 : index
    %swap3A_10 = arith.constant 0 : index
    %swap3A_11 = vector.load %arg6[%swap3A, %swap3A_10] : memref<8x512xf32, #tpu.memory_space<vmem>>, vector<8x512xf32>
    tpu.vector_store %arg6[%swap3A, %swap3A_10], %broadcast_in_dim3A_9 {strides = array<i32>} : memref<8x512xf32, #tpu.memory_space<vmem>>, vector<8x512xf32>,
    %iota3A = tpu.iota {dimensions = array<i32: 1>} : vector<8x512xi32>
    %scan3A = arith.constant 0 : i32
    %scan3A_12 = arith.constant 512 : i32
    %scan3A_13 = arith.addi %scan3A, %scan3A_12 : i32
    %scan3A_14 = arith.constant 1 : i32
    scf.for %scan3A_73 = %scan3A to %scan3A_13 step %scan3A_14  : i32 {
      %get3A_74 = arith.constant 0 : index
      %get3A_75 = arith.index_cast %scan3A_73 : i32 to index
      %get3A_76 = arith.constant 0 : index
      %get3A_77 = vector.load %arg4[%get3A_74, %get3A_75, %get3A_76] : memref<1x512x512xf32, #tpu.memory_space<vmem>>, vector<1x1x512xf32>
      %get3A_78 = vector.shape_cast %get3A_77 : vector<1x1x512xf32> to vector<1x512xf32>
      %get3A_79 = arith.constant 0 : index
      %get3A_80 = arith.constant 0 : index
      %get3A_81 = vector.load %arg6[%get3A_79, %get3A_80] : memref<8x512xf32, #tpu.memory_space<vmem>>, vector<8x512xf32>
      %eq3A_82 = vector.broadcast %scan3A_73 : i32 to vector<8x512xi32>
      %eq3A_83 = arith.cmpi eq, %iota3A, %eq3A_82 : vector<8x512xi32>
      %mul3A_84 = arith.mulf %get3A_81, %get3A_8 : vector<8x512xf32>
      %jit3A_85 = arith.constant 0.000000e+00 : f32
      %broadcast_in_dim3A_86 = vector.broadcast %jit3A_85 : f32 to vector<8x512xf32>
      %select_n3A_87 = arith.select %eq3A_83, %mul3A_84, %broadcast_in_dim3A_86 : vector<8x512xi1>, vector<8x512xf32>
      %reduce_sum3A = arith.constant dense<0.000000e+00> : vector<8xf32>
      %reduce_sum3A_88 = vector.multi_reduction <add>, %select_n3A_87, %reduce_sum3A [1] : vector<8x512xf32> to vector<8xf32>
      %broadcast_in_dim3A_89 = vector.shape_cast %reduce_sum3A_88 : vector<8xf32> to vector<8x1xf32>
      %mul3A_90 = vector.broadcast %broadcast_in_dim3A_89 : vector<8x1xf32> to vector<8x512xf32>
      %mul3A_91 = vector.broadcast %get3A_78 : vector<1x512xf32> to vector<8x512xf32>
      %mul3A_92 = arith.mulf %mul3A_90, %mul3A_91 : vector<8x512xf32>
      %sub3A = arith.constant 1.000000e+00 : f32
      %sub3A_93 = vector.broadcast %sub3A : f32 to vector<8x512xf32>
      %sub3A_94 = arith.subf %sub3A_93, %mul3A_92 : vector<8x512xf32>
      %mul3A_95 = arith.mulf %get3A_81, %sub3A_94 : vector<8x512xf32>
      %swap3A_96 = arith.constant 0 : index
      %swap3A_97 = arith.constant 0 : index
      %swap3A_98 = vector.load %arg6[%swap3A_96, %swap3A_97] : memref<8x512xf32, #tpu.memory_space<vmem>>, vector<8x512xf32>
      tpu.vector_store %arg6[%swap3A_96, %swap3A_97], %mul3A_95 {strides = array<i32>} : memref<8x512xf32, #tpu.memory_space<vmem>>, vector<8x512xf32>,
    }
    %scan3A_15 = arith.constant 512 : i32
    %get3A_16 = arith.constant 0 : index
    %get3A_17 = arith.constant 0 : index
    %get3A_18 = vector.load %arg6[%get3A_16, %get3A_17] : memref<8x512xf32, #tpu.memory_space<vmem>>, vector<8x512xf32>
    %mul3A = arith.mulf %get3A_18, %get3A_8 : vector<8x512xf32>
    %reduce_max3A = arith.constant dense<0xFF800000> : vector<512xf32>
    %reduce_max3A_19 = vector.multi_reduction <maximumf>, %mul3A, %reduce_max3A [0] : vector<8x512xf32> to vector<512xf32>
    %broadcast_in_dim3A_20 = vector.shape_cast %reduce_max3A_19 : vector<512xf32> to vector<1x512xf32>
    %gt3A = arith.constant 5.000000e-01 : f32
    %gt3A_21 = vector.broadcast %gt3A : f32 to vector<1x512xf32>
    %gt3A_22 = arith.cmpf ogt, %broadcast_in_dim3A_20, %gt3A_21 : vector<1x512xf32>
    %jit3A = arith.constant 0.000000e+00 : f32
    %broadcast_in_dim3A_23 = vector.broadcast %jit3A : f32 to vector<1x512xf32>
    %select_n3A = arith.select %gt3A_22, %get3A_3, %broadcast_in_dim3A_23 : vector<1x512xi1>, vector<1x512xf32>
    %iota3A_24 = tpu.iota {dimensions = array<i32: 0>} : vector<512x512xi32>
    %iota3A_25 = tpu.iota {dimensions = array<i32: 1>} : vector<512x512xi32>
    %eq3A = arith.cmpi eq, %iota3A_24, %iota3A_25 : vector<512x512xi32>
    %convert_element_type3A = arith.extui %eq3A : vector<512x512xi1> to vector<512x512xi32>
    %convert_element_type3A_26 = arith.sitofp %convert_element_type3A : vector<512x512xi32> to vector<512x512xf32>
    %iota3A_27 = tpu.iota {dimensions = array<i32: 1>} : vector<1x512xi32>
    %convert_element_type3A_28 = arith.sitofp %iota3A_27 : vector<1x512xi32> to vector<1x512xf32>
    %iota3A_29 = tpu.iota {dimensions = array<i32: 1>} : vector<1x512xi32>
    %broadcast_in_dim3A_30 = arith.constant 0.000000e+00 : f32
    %broadcast_in_dim3A_31 = vector.broadcast %broadcast_in_dim3A_30 : f32 to vector<1x512xf32>
    %scan3A_32 = arith.constant 0 : i32
    %scan3A_33 = arith.constant 500 : i32
    %scan3A_34 = arith.addi %scan3A_32, %scan3A_33 : i32
    %scan3A_35 = arith.constant 1 : i32
    %scan3A_36:2 = scf.for %scan3A_73 = %scan3A_32 to %scan3A_34 step %scan3A_35 iter_args(%scan3A_74 = %select_n3A, %scan3A_75 = %broadcast_in_dim3A_31) -> (vector<1x512xf32>, vector<1x512xf32>)  : i32 {
      %reduce_max3A_76 = vector.shape_cast %scan3A_74 : vector<1x512xf32> to vector<1x1x512xf32>
      %reduce_max3A_77 = arith.constant dense<0xFF800000> : vector<1xf32>
      %reduce_max3A_78 = vector.multi_reduction <maximumf>, %reduce_max3A_76, %reduce_max3A_77 [1, 2] : vector<1x1x512xf32> to vector<1xf32>
      %reduce_max3A_79 = vector.shape_cast %reduce_max3A_78 : vector<1xf32> to vector<1x1x1xf32>
      %reduce_max3A_80 = vector.extract %reduce_max3A_79[0, 0, 0] : f32 from vector<1x1x1xf32>
      %eq3A_81 = vector.broadcast %reduce_max3A_80 : f32 to vector<1x512xf32>
      %eq3A_82 = arith.cmpf oeq, %scan3A_74, %eq3A_81 : vector<1x512xf32>
      %jit3A_83 = arith.constant 1.000000e+09 : f32
      %broadcast_in_dim3A_84 = vector.broadcast %jit3A_83 : f32 to vector<1x512xf32>
      %select_n3A_85 = arith.select %eq3A_82, %convert_element_type3A_28, %broadcast_in_dim3A_84 : vector<1x512xi1>, vector<1x512xf32>
      %reduce_min3A = vector.shape_cast %select_n3A_85 : vector<1x512xf32> to vector<1x1x512xf32>
      %reduce_min3A_86 = arith.constant dense<0x7F800000> : vector<1xf32>
      %reduce_min3A_87 = vector.multi_reduction <minimumf>, %reduce_min3A, %reduce_min3A_86 [1, 2] : vector<1x1x512xf32> to vector<1xf32>
      %reduce_min3A_88 = vector.shape_cast %reduce_min3A_87 : vector<1xf32> to vector<1x1x1xf32>
      %reduce_min3A_89 = vector.extract %reduce_min3A_88[0, 0, 0] : f32 from vector<1x1x1xf32>
      %eq3A_90 = vector.broadcast %scan3A_73 : i32 to vector<1x512xi32>
      %eq3A_91 = arith.cmpi eq, %iota3A_29, %eq3A_90 : vector<1x512xi32>
      %broadcast_in_dim3A_92 = vector.broadcast %reduce_min3A_89 : f32 to vector<1x512xf32>
      %select_n3A_93 = arith.select %eq3A_91, %broadcast_in_dim3A_92, %scan3A_75 : vector<1x512xi1>, vector<1x512xf32>
      %eq3A_94 = vector.broadcast %reduce_min3A_89 : f32 to vector<1x512xf32>
      %eq3A_95 = arith.cmpf oeq, %convert_element_type3A_28, %eq3A_94 : vector<1x512xf32>
      %jit3A_96 = arith.constant -1.000000e+00 : f32
      %broadcast_in_dim3A_97 = vector.broadcast %jit3A_96 : f32 to vector<1x512xf32>
      %select_n3A_98 = arith.select %eq3A_95, %broadcast_in_dim3A_97, %scan3A_74 : vector<1x512xi1>, vector<1x512xf32>
      scf.yield %select_n3A_98, %select_n3A_93 : vector<1x512xf32>, vector<1x512xf32>
    }
    %scan3A_37 = arith.constant 500 : i32
    %dot_general3A = arith.constant dense<0.000000e+00> : vector<512x1xf32>
    %dot_general3A_38 = tpu.matmul %convert_element_type3A_26, %scan3A_36#1, %dot_general3A {dimension_numbers = #tpu.dot_dimension_numbers<[1], [1], [0], [0], [0, 0, 1, 0], [], []>, precision = #tpu.contract_precision<fp32>, transpose_lhs_hint = false} : vector<512x512xf32>, vector<1x512xf32>, vector<512x1xf32> -> vector<512x1xf32>
    %eq3A_39 = vector.broadcast %dot_general3A_38 : vector<512x1xf32> to vector<512x512xf32>
    %eq3A_40 = vector.broadcast %convert_element_type3A_28 : vector<1x512xf32> to vector<512x512xf32>
    %eq3A_41 = arith.cmpf oeq, %eq3A_39, %eq3A_40 : vector<512x512xf32>
    %convert_element_type3A_42 = arith.extui %eq3A_41 : vector<512x512xi1> to vector<512x512xi32>
    %convert_element_type3A_43 = arith.sitofp %convert_element_type3A_42 : vector<512x512xi32> to vector<512x512xf32>
    %get3A_44 = arith.constant 0 : index
    %get3A_45 = arith.constant 0 : index
    %get3A_46 = arith.constant 0 : index
    %get3A_47 = vector.load %arg1[%get3A_44, %get3A_45, %get3A_46] : memref<1x16x512xf32, #tpu.memory_space<vmem>>, vector<1x16x512xf32>
    %get3A_48 = vector.shape_cast %get3A_47 : vector<1x16x512xf32> to vector<16x512xf32>
    %slice3A = vector.extract_strided_slice %get3A_48 {offsets = [0, 0], sizes = [7, 512], strides = [1, 1]} : vector<16x512xf32> to vector<7x512xf32>
    %slice3A_49 = vector.extract_strided_slice %get3A_48 {offsets = [8, 0], sizes = [1, 512], strides = [1, 1]} : vector<16x512xf32> to vector<1x512xf32>
    %broadcast_in_dim3A_50 = arith.constant 0.000000e+00 : f32
    %broadcast_in_dim3A_51 = vector.broadcast %broadcast_in_dim3A_50 : f32 to vector<7x512xf32>
    %concatenate3A = tpu.concatenate %slice3A, %select_n3A, %slice3A_49, %broadcast_in_dim3A_51 in 0 : vector<7x512xf32>, vector<1x512xf32>, vector<1x512xf32>, vector<7x512xf32> -> vector<16x512xf32>
    %dot_general3A_52 = arith.constant dense<0.000000e+00> : vector<512x16xf32>
    %dot_general3A_53 = tpu.matmul %convert_element_type3A_26, %concatenate3A, %dot_general3A_52 {dimension_numbers = #tpu.dot_dimension_numbers<[1], [1], [0], [0], [0, 0, 1, 0], [], []>, precision = #tpu.contract_precision<fp32>, transpose_lhs_hint = false} : vector<512x512xf32>, vector<16x512xf32>, vector<512x16xf32> -> vector<512x16xf32>
    %dot_general3A_54 = arith.constant dense<0.000000e+00> : vector<512x16xf32>
    %dot_general3A_55 = tpu.matmul %convert_element_type3A_43, %dot_general3A_53, %dot_general3A_54 {dimension_numbers = #tpu.dot_dimension_numbers<[1], [0], [0], [1], [0, 0, 1, 1], [], []>, precision = #tpu.contract_precision<fp32>, transpose_lhs_hint = false} : vector<512x512xf32>, vector<512x16xf32>, vector<512x16xf32> -> vector<512x16xf32>
    %slice3A_56 = vector.extract_strided_slice %dot_general3A_55 {offsets = [0, 7], sizes = [512, 1], strides = [1, 1]} : vector<512x16xf32> to vector<512x1xf32>
    %gt3A_57 = arith.constant 0.000000e+00 : f32
    %gt3A_58 = vector.broadcast %gt3A_57 : f32 to vector<512x1xf32>
    %gt3A_59 = arith.cmpf ogt, %slice3A_56, %gt3A_58 : vector<512x1xf32>
    %convert_element_type3A_60 = arith.extui %gt3A_59 : vector<512x1xi1> to vector<512x1xi32>
    %convert_element_type3A_61 = arith.sitofp %convert_element_type3A_60 : vector<512x1xi32> to vector<512x1xf32>
    %slice3A_62 = vector.extract_strided_slice %dot_general3A_55 {offsets = [0, 0], sizes = [512, 7], strides = [1, 1]} : vector<512x16xf32> to vector<512x7xf32>
    %mul3A_63 = vector.broadcast %convert_element_type3A_61 : vector<512x1xf32> to vector<512x7xf32>
    %mul3A_64 = arith.mulf %slice3A_62, %mul3A_63 : vector<512x7xf32>
    %slice3A_65 = vector.extract_strided_slice %dot_general3A_55 {offsets = [0, 7], sizes = [512, 9], strides = [1, 1]} : vector<512x16xf32> to vector<512x9xf32>
    %concatenate3A_66 = tpu.concatenate %mul3A_64, %slice3A_65 in 1 : vector<512x7xf32>, vector<512x9xf32> -> vector<512x16xf32>
    %swap3A_67 = arith.constant 0 : index
    %swap3A_68 = arith.constant 0 : index
    %swap3A_69 = arith.constant 0 : index
    %swap3A_70 = vector.load %arg5[%swap3A_67, %swap3A_68, %swap3A_69] : memref<1x512x16xf32, #tpu.memory_space<vmem>>, vector<1x512x16xf32>
    %swap3A_71 = vector.shape_cast %swap3A_70 : vector<1x512x16xf32> to vector<512x16xf32>
    %swap3A_72 = vector.shape_cast %concatenate3A_66 : vector<512x16xf32> to vector<1x512x16xf32>
    tpu.vector_store %arg5[%swap3A_67, %swap3A_68, %swap3A_69], %swap3A_72 {strides = array<i32>} : memref<1x512x16xf32, #tpu.memory_space<vmem>>, vector<1x512x16xf32>,
    return
  }
  func.func @transform_0(%arg0: i32) -> (i32, i32, i32) {
    %c0_i32 = arith.constant 0 : i32
    %c0_i32_0 = arith.constant 0 : i32
    %c0_i32_1 = arith.constant 0 : i32
    return %arg0, %c0_i32, %c0_i32_0 : i32, i32, i32
  }
  func.func @transform_1(%arg0: i32) -> (i32, i32, i32) {
    %c0_i32 = arith.constant 0 : i32
    %c0_i32_0 = arith.constant 0 : i32
    %c0_i32_1 = arith.constant 0 : i32
    return %arg0, %c0_i32, %c0_i32_0 : i32, i32, i32
  }
  func.func @transform_2(%arg0: i32) -> (i32, i32, i32) {
    %c0_i32 = arith.constant 0 : i32
    %c0_i32_0 = arith.constant 0 : i32
    %c0_i32_1 = arith.constant 0 : i32
    return %arg0, %c0_i32, %c0_i32_0 : i32, i32, i32
  }
  func.func @transform_3(%arg0: i32) -> (i32, i32, i32) {
    %c0_i32 = arith.constant 0 : i32
    %c0_i32_0 = arith.constant 0 : i32
    %c0_i32_1 = arith.constant 0 : i32
    return %arg0, %c0_i32, %c0_i32_0 : i32, i32, i32
  }
  func.func @transform_4(%arg0: i32) -> (i32, i32, i32) {
    %c0_i32 = arith.constant 0 : i32
    %c0_i32_0 = arith.constant 0 : i32
    %c0_i32_1 = arith.constant 0 : i32
    return %arg0, %c0_i32, %c0_i32_0 : i32, i32, i32
  }
}

</mosaic_0001>

<sc_bundles>
// kernel: kernel.5.cloned.1.call-start
scs
__scs_entry_jumppad:
0x0: {  	(pc) =	sbr.rel $0x88, $3  }
0x1: {  	(tag) =	ssettag $0x0;
	lr =	simm.s32 $0x1  }
0x2: {  	[smem:$0x3F7E] =	sst lr;
	_ =	strace $0xD0000000  }
0x3: {  	_ = 	snop  }
0x4: {  	_ = 	snop  }
0x5: {  	_ = 	snop  }
0x6: {  	_ = 	snop  }
0x7: {  	_ = 	snop  }
__scs_overlays_trampoline_lowered:
0x8: {  	[smem:$0x3F8D] =	sst s0  }
0x9: {  	[smem:$0x3F8E] =	sst s1  }
0xa: {  	[smem:$0x3F8F] =	sst s2  }
0xb: {  	[smem:$0x3F90] =	sst s3  }
0xc: {  	[smem:$0x3F91] =	sst s4  }
0xd: {  	[smem:$0x3F92] =	sst s5  }
0xe: {  	[smem:$0x3F93] =	sst s6  }
0xf: {  	[smem:$0x3F94] =	sst s7  }
0x10: {  	[smem:$0x3F95] =	sst s8  }
0x11: {  	[smem:$0x3F96] =	sst s9;
	s0 =	simm.s32 @!p0 $0x0  }
0x12: {  	s1 =	sld [smem:$0x3F7C];
	s0 =	simm.s32 @p0 $0x1  }
0x13: {  	[smem:$0x3F97] =	sst s0;
	s0 =	simm.s32 @!p1 $0x0  }
0x14: {  	s2 =	sld [smem:$0x3F7B];
	s0 =	simm.s32 @p1 $0x1  }
0x15: {  	[smem:$0x3F98] =	sst s0;
	s0 =	simm.s32 @!p2 $0x0  }
0x16: {  	s3 =	sld [smem:$0x3FDB];
	s0 =	simm.s32 @p2 $0x1  }
0x17: {  	s4 =	simm.s32 $0x1BF5;
	[smem:$0x3F9A] =	sst s0  }
0x18: {  	s0 =	sld [smem:$0x3F7D];
	_ =	swait.ge [sflag:s4], $0x0  }
0x19: {  	s7 =	sld [smem:$0x3F7E]  }
0x1a: {  	s8 =	sadd.s32 $0xFFFFE003, lr  }
0x1b: {  	s9 =	sadd.s32 $0xFFFFFEF7, lr;
	s5 =	simm.s32 $0xFFFFFFFF;
	p2 =	slt.u32 s8, $0xFFFFF086  }
0x1c: {  	p1 =	slt.u32 s9, $0xF7A;
	s5 =	simm.s32 @!p2 $0x0  }
0x1d: {  	s5 =	simm.s32 @p1 $0x1;
	p0 =	seq.s32 s7, s2  }
0x1e: {  	s7 =	smul.u32 @!p0 $0xF7A, s2;
	p2 =	seq.s32 @!p0 s5, $0x0  }
0x1f: {  	s9 =	smul.u32 $0xF7A, s1;
	s8 =	simm.s32 @!p0 $0x1BF5;
	p2 =	por !p2, p0  }
0x20: {  	[sflag:s8] =	ssyncset.s32 @!p0 $0xFFFFF086;
	s6 =	sadd.s32 @!p0 s3, s7;
	s7 =	simm.s32 @!p0 $0x108  }
0x21: {  	s3 =	sadd.s32 s3, s9;
	s6 =	sadd.s32 @!p0 $0x88, s6;
	s7 =	simm.s32 @p2 $0x1082  }
0x22: {  	[simem:s7], [sflag:s8] =	dma.local @!p0 [hbm:s6], $0xF7A  }
0x23: {  	s9 =	sor.u32 $0xD0000000, s2;
	s6 =	simm.s32 $0x108;
	_ =	swait.ge @!p0 [sflag:s8], $0x0  }
0x24: {  	s3 =	sadd.s32 $0x88, s3;
	s6 =	simm.s32 @!p1 $0x1082;
	[sflag:s4] =	ssyncset.s32 $0xFFFFF086  }
0x25: {  	[simem:s6], [sflag:s4] =	dma.local [hbm:s3], $0xF7A  }
0x26: {  	[smem:$0x3F7E] =	sst s1;
	(tag) =	ssettag s2;
	_ =	strace s9  }
0x27: {  	s1 =	sld [smem:$0x3F8E]  }
0x28: {  	s2 =	sld [smem:$0x3F8F]  }
0x29: {  	s4 =	sld [smem:$0x3F91]  }
0x2a: {  	p0 =	seq.s32 s5, $0x0;
	s5 =	sld [smem:$0x3F92]  }
0x2b: {  	s6 =	sld [smem:$0x3F93]  }
0x2c: {  	s7 =	sld [smem:$0x3F94]  }
0x2d: {  	s3 =	simm.s32 $0x108;
	s8 =	sld [smem:$0x3F95]  }
0x2e: {  	s3 =	simm.s32 @!p0 $0x1082;
	s9 =	sld [smem:$0x3F96]  }
0x2f: {  	lr =	sadd.s32 s0, s3;
	s0 =	sld [smem:$0x3F8D]  }
0x30: {  	s3 =	sld [smem:$0x3F90]  }
0x31: {  	[smem:$0x3F99] =	sst s10  }
0x32: {  	s10 =	sld [smem:$0x3F97];
	_ =	sdelay $0x3  }
0x33: {  	p0 =	seq.s32 s10, $0x1;
	s10 =	sld [smem:$0x3F99];
	_ =	sdelay $0x3  }
0x34: {  	[smem:$0x3F99] =	sst s10  }
0x35: {  	s10 =	sld [smem:$0x3F98];
	_ =	sdelay $0x3  }
0x36: {  	p1 =	seq.s32 s10, $0x1;
	s10 =	sld [smem:$0x3F99];
	_ =	sdelay $0x3  }
0x37: {  	[smem:$0x3F99] =	sst s10  }
0x38: {  	s10 =	sld [smem:$0x3F9A]  }
0x39: {  	_ = 	snop;
	(pc) =	sbr.ind lr, $3  }
0x3a: {  	_ = 	snop  }
0x3b: {  	_ = 	snop  }
0x3c: {  	p2 =	seq.s32 s10, $0x1;
	s10 =	sld [smem:$0x3F99]  }
0x3d: {  	_ =	shalt  }
0x3e: {  	_ =	shalt  }
0x3f: {  	_ =	shalt  }
0x40: {  	_ =	shalt  }
0x41: {  	_ =	shalt  }
0x42: {  	_ =	shalt  }
0x43: {  	_ =	shalt  }
0x44: {  	_ =	shalt  }
0x45: {  	_ =	shalt  }
0x46: {  	_ =	shalt  }
0x47: {  	_ =	shalt  }
0x48: {  	_ =	shalt  }
0x49: {  	_ =	shalt  }
0x4a: {  	_ =	shalt  }
0x4b: {  	_ =	shalt  }
0x4c: {  	_ =	shalt  }
0x4d: {  	_ =	shalt  }
0x4e: {  	_ =	shalt  }
0x4f: {  	_ =	shalt  }
0x50: {  	_ =	shalt  }
0x51: {  	_ =	shalt  }
0x52: {  	_ =	shalt  }
0x53: {  	_ =	shalt  }
0x54: {  	_ =	shalt  }
0x55: {  	_ =	shalt  }
0x56: {  	_ =	shalt  }
0x57: {  	_ =	shalt  }
0x58: {  	_ =	shalt  }
0x59: {  	_ =	shalt  }
0x5a: {  	_ =	shalt  }
0x5b: {  	_ =	shalt  }
0x5c: {  	_ =	shalt  }
0x5d: {  	_ =	shalt  }
0x5e: {  	_ =	shalt  }
0x5f: {  	_ =	shalt  }
0x60: {  	_ =	shalt  }
0x61: {  	_ =	shalt  }
0x62: {  	_ =	shalt  }
0x63: {  	_ =	shalt  }
0x64: {  	_ =	shalt  }
0x65: {  	_ =	shalt  }
0x66: {  	_ =	shalt  }
0x67: {  	_ =	shalt  }
0x68: {  	_ =	shalt  }
0x69: {  	_ =	shalt  }
0x6a: {  	_ =	shalt  }
0x6b: {  	_ =	shalt  }
0x6c: {  	_ =	shalt  }
0x6d: {  	_ =	shalt  }
0x6e: {  	_ =	shalt  }
0x6f: {  	_ =	shalt  }
0x70: {  	_ =	shalt  }
0x71: {  	_ =	shalt  }
0x72: {  	_ =	shalt  }
0x73: {  	_ =	shalt  }
0x74: {  	_ =	shalt  }
0x75: {  	_ =	shalt  }
0x76: {  	_ =	shalt  }
0x77: {  	_ =	shalt  }
0x78: {  	_ =	shalt  }
0x79: {  	_ =	shalt  }
0x7a: {  	_ =	shalt  }
0x7b: {  	_ =	shalt  }
0x7c: {  	_ =	shalt  }
0x7d: {  	_ =	shalt  }
0x7e: {  	_ =	shalt  }
0x7f: {  	_ =	shalt  }
0x80: {  	_ =	shalt  }
0x81: {  	_ =	shalt  }
0x82: {  	_ =	shalt  }
0x83: {  	_ =	shalt  }
0x84: {  	_ =	shalt  }
0x85: {  	_ =	shalt  }
0x86: {  	_ =	shalt  }
0x87: {  	_ =	shalt  }
.Lfunc_end0:
.L_simem_size_0:
called_computation_lowered:
.L_overlay_start_0:
0x88: {  	s2 =	sld [smem:$0x3FD9]  }
0x89: {  	s3 =	sld [smem:$0x3FFE];
	_ =	sdelay $0x1  }
0x8a: {  	s1 =	srdreg.scid  }
0x8b: {  	s0 =	sand.u32 $0x1, s1  }
0x8c: {  	s14 =	sshll.u32 s0, $0xA;
	s2 =	sadd.s32 s3, s2  }
0x8d: {  	s2 =	sadd.s32 s2, s14  }
0x8e: {  	[smem:$0x3FA5] =	sst s2  }
0x8f: {  	_ = 	snop  }
0x90: {  	s2 =	sld [smem:$0x3FD0];
	_ =	sdelay $0x2  }
0x91: {  	s15 =	simm.s32 $0xA;
	s4 =	simm.s32 $0x10  }
0x92: {  	[smem:s4], [sflag:s15] =	dma.local [hbm:s2], $0x1  }
0x93: {  	_ =	swait.eq [sflag:s15], $0x1  }
0x94: {  	[sflag:s15] =	ssyncset.done $0x0  }
0x95: {  	[sflag:s15] =	ssyncadd.s32 $0xFFFFFFFF  }
0x96: {  	s16 =	sld [smem:$0x12];
	(tm) =	ssettm $0x1  }
0x97: {  	s17 =	sld [smem:$0x3FFB];
	_ =	sdelay $0x3  }
0x98: {  	_ =	strace s17  }
0x99: {  	s3 =	sld [smem:$0x3FFC];
	_ =	sdelay $0x3  }
0x9a: {  	_ =	strace s3  }
0x9b: {  	s3 =	sld [smem:$0x3FFD];
	_ =	sdelay $0x3  }
0x9c: {  	_ =	strace s3  }
0x9d: {  	_ =	strace $0x8FFFFFFF  }
0x9e: {  	s18 =	sld [smem:$0x3FDB];
	_ =	sdelay $0x1  }
0x9f: {  	s19 =	simm.s32 $_scs_section_size  }
0xa0: {  	s5 =	simm.s32 $_size__tile_overlayer_lowered;
	s6 =	simm.s32 $_tile_overlayer_lowered  }
0xa1: {  	s22 =	simm.s32 $0x1BFF;
	s21 =	sshll.u32 s6, $0x1;
	s3 =	sadd.s32 s19, s18  }
0xa2: {  	s7 =	simm.s32 $0x0;
	s20 =	sshll.u32 s5, $0x1;
	s5 =	sadd.s32 s21, s3  }
0xa3: {  	[timem:s7], [sflag:s22] =	dma.local [hbm:s5], s20  }
0xa4: {  	_ =	swait.ge [sflag:s22], s20  }
0xa5: {  	s4 =	ssub.s32 $0x0, s20;
	[sflag:s22] =	ssyncset.done $0x0  }
0xa6: {  	[sflag:s22] =	ssyncadd.s32 s4;
	_ =	sdelay $0x1  }
0xa7: {  	s23 =	simm.s32 $0x1B8B  }
0xa8: {  	_ =	swait.ge [sflag:s23], $0x1  }
0xa9: {  	[sflag:s23] =	ssyncset.done $0x0  }
0xaa: {  	s25 =	simm.s32 $0x1B8E;
	s24 =	sld [smem:$0x3FFE];
	[sflag:s23] =	ssyncadd.s32 $0xFFFFFFFF  }
0xab: {  	s26 =	simm.s32 $execute0_lowered;
	[smem:$0x3FD2] =	sst s25  }
0xac: {  	s5 =	sshll.u32 s26, $0x1;
	_ =	strace $0x80000046;
	[dreg:$0x1] =	wrdreg $0xFFFFFFFF  }
0xad: {  	s28 =	simm.s32 $_size_execute0_lowered;
	s3 =	sadd.s32 s3, s5;
	[dreg:$0x0] =	wrdreg $0x0  }
0xae: {  	s5 =	sshll.u32 s28, $0x1;
	[dreg:$0x2] =	wrdreg s3  }
0xaf: {  	[dreg:$0x3] =	wrdreg s5  }
0xb0: {  	[dreg:$0x4] =	wrdreg $0xC0  }
0xb1: {  	_ =	task [dreg:s7], $0x5FFFF  }
0xb2: {  	[dreg:$0x1] =	wrdreg $0xFFFFFFFF  }
0xb3: {  	[dreg:$0x0] =	wrdreg $0x60  }
0xb4: {  	[dreg:$0x2] =	wrdreg s24  }
0xb5: {  	[dreg:$0x3] =	wrdreg s16  }
0xb6: {  	[dreg:$0x4] =	wrdreg $0x9  }
0xb7: {  	_ =	task.clear_ibuf [dreg:s7], $0x5FFFF;
	_ =	strace $0x90000046  }
0xb8: {  	s29 =	simm.s32 $0x9;
	_ =	strace $0x80000048  }
0xb9: {  	_ =	swait.ge [sflag:s29], $0x1  }
0xba: {  	[sflag:s29] =	ssyncadd.s32 $0xFFFFFFFF  }
0xbb: {  	_ =	strace $0x90000048  }
0xbc: {  	_ =	sfence  }
0xbd: {  	s30 =	sld [smem:$0x0];
	_ =	sdelay $0x2  }
0xbe: {  	s31 =	sshll.u32 s1, $0xD;
	s1 =	sshrl.u32 s1, $0x2  }
0xbf: {  	s3 =	sand.u32 $0x4000, s31;
	s1 =	sadd.s32 s1, s30  }
0xc0: {  	s0 =	sor.u32 s3, s0;
	s1 =	sshll.u32 s1, $0x11  }
0xc1: {  	s0 =	sor.u32 s1, s0  }
0xc2: {  	s0 =	sadd.s32 $0x8F2B, s0  }
0xc3: {  	[sflag:s0] =	ssyncadd.remote.s32 $0x1  }
0xc4: {  	_ =	sfence.sel $0xFFFF  }
0xc5: {  	[dreg:$0x0] =	wrdreg $0xFFFFFFFF;
	(pc) =	sbr.abs _section_cstart, $3  }
0xc6: {  	[dreg:$0x1] =	wrdreg $0xFFFFFFFF  }
0xc7: {  	_ =	task.clear_ibuf [dreg:s7], $0x2FFFF;
	_ =	strace $0x9FFFFFFF  }
0xc8: {  	(tm) =	ssettm $0x7FFFFFFF  }
0xc9: {  	_ =	shalt  }
tec
execute0_lowered:
.L_overlay_start_1:
0x0: {  	(tag) =	ssettag $0x1  }
0x1: {  	s9 =	rddreg [dreg:$0x0]  }
0x2: {  	s3 =	rddreg [dreg:$0x1]  }
0x3: {  	s0 =	rddreg [dreg:$0x2];
	s2 =	simm.s32 $0x0;
	s1 =	stileid.u32  }
0x4: {  	s4 =	srdreg.scid;
	s7 =	simm.s32 $0x4000;
	s6 =	simm.s32 $0x1  }
0x5: {  	[smem:$0x7FF] =	sst s2;
	s10 =	sshrl.u32 s1, $0x2;
	s5 =	sshll.u32 s1, $0x1  }
0x6: {  	s11 =	sand.u32 $0x1, s4;
	s4 =	simm.s32 $0x80;
	_ =	strace $0x80000047  }
0x7: {  	s8 =	sshll.u32 s10, $0xE;
	s26 =	sand.u32 $0x6, s5;
	s28 =	sshll.u32 s10, $0x4  }
0x8: {  	s5 =	simm.s32 $0x200;
	s12 =	sor.u32 s11, s26;
	s3 =	sadd.s32 s3, s28  }
0x9: {  	[tilespmem:s7], [sflag:$0x1] =	stream.strided.gather [hbm4b:s3+s4], $0x200, s5, s4, $0x38;
	[tilespmem:$0x4400] =	vst v63  }
0xa: {  	s8 =	sadd.s32 s8, s9;
	s13 =	sshll.u32 s12, $0xB;
	_ =	swait.ge [sflag:s6], $0x200  }
0xb: {  	s8 =	sadd.s32 s13, s8;
	[sflag:s6] =	ssyncset.done $0x0  }
0xc: {  	s8 =	sadd.s32 $0x1800, s8;
	[sflag:s6] =	ssyncadd.s32 $0xFFFFFE00  }
0xd: {  	[tilespmem:s2], [sflag:$0x1] =	stream.linear.gather [hbm4b:s8+s2], $0x4000, $0x38;
	[tilespmem:$0x4400] =	vst v63  }
0xe: {  	_ =	swait.ge [sflag:s6], $0x4000  }
0xf: {  	[sflag:s6] =	ssyncset.done $0x0  }
0x10: {  	[sflag:s6] =	ssyncadd.s32 $0xFFFFC000  }
0x11: {  	v0 =	vld [tilespmem:$0x4000];
	_ =	sdelay $0x4  }
0x12: {  	v0 =	vand.u32 $0x3FFF, v0  }
0x13: {  	v1 =	vld [tilespmem:$0x4010];
	_ =	sdelay $0x3  }
0x14: {  	v0 =	vld.idx.msk [tilespmem:v0+s2+$0x0], $0xffff  }
0x15: {  	v1 =	vand.u32 $0x3FFF, v1  }
0x16: {  	v2 =	vld [tilespmem:$0x4020];
	_ =	sdelay $0x2  }
0x17: {  	[tilespmem:$0x4200] =	vst v0  }
0x18: {  	v0 =	vld.idx.msk [tilespmem:v1+s2+$0x0], $0xffff  }
0x19: {  	v5 =	vand.u32 $0x3FFF, v2  }
0x1a: {  	v6 =	vld [tilespmem:$0x4030];
	_ =	sdelay $0x2  }
0x1b: {  	[tilespmem:$0x4210] =	vst v0  }
0x1c: {  	v0 =	vld.idx.msk [tilespmem:v5+s2+$0x0], $0xffff  }
0x1d: {  	v7 =	vand.u32 $0x3FFF, v6  }
0x1e: {  	v8 =	vld [tilespmem:$0x4040];
	_ =	sdelay $0x2  }
0x1f: {  	[tilespmem:$0x4220] =	vst v0  }
0x20: {  	v0 =	vld.idx.msk [tilespmem:v7+s2+$0x0], $0xffff  }
0x21: {  	v9 =	vand.u32 $0x3FFF, v8  }
0x22: {  	v10 =	vld [tilespmem:$0x4050];
	_ =	sdelay $0x2  }
0x23: {  	[tilespmem:$0x4230] =	vst v0  }
0x24: {  	v0 =	vld.idx.msk [tilespmem:v9+s2+$0x0], $0xffff  }
0x25: {  	v11 =	vand.u32 $0x3FFF, v10  }
0x26: {  	v12 =	vld [tilespmem:$0x4060];
	_ =	sdelay $0x2  }
0x27: {  	[tilespmem:$0x4240] =	vst v0  }
0x28: {  	v0 =	vld.idx.msk [tilespmem:v11+s2+$0x0], $0xffff  }
0x29: {  	v13 =	vand.u32 $0x3FFF, v12  }
0x2a: {  	v14 =	vld [tilespmem:$0x4070];
	_ =	sdelay $0x2  }
0x2b: {  	[tilespmem:$0x4250] =	vst v0  }
0x2c: {  	v0 =	vld.idx.msk [tilespmem:v13+s2+$0x0], $0xffff  }
0x2d: {  	v15 =	vand.u32 $0x3FFF, v14  }
0x2e: {  	v16 =	vld [tilespmem:$0x4080];
	_ =	sdelay $0x2  }
0x2f: {  	[tilespmem:$0x4260] =	vst v0  }
0x30: {  	v0 =	vld.idx.msk [tilespmem:v15+s2+$0x0], $0xffff  }
0x31: {  	v17 =	vand.u32 $0x3FFF, v16  }
0x32: {  	v18 =	vld [tilespmem:$0x4090];
	_ =	sdelay $0x2  }
0x33: {  	[tilespmem:$0x4270] =	vst v0  }
0x34: {  	v0 =	vld.idx.msk [tilespmem:v17+s2+$0x0], $0xffff  }
0x35: {  	v19 =	vand.u32 $0x3FFF, v18  }
0x36: {  	v20 =	vld [tilespmem:$0x40A0];
	_ =	sdelay $0x2  }
0x37: {  	[tilespmem:$0x4280] =	vst v0  }
0x38: {  	v0 =	vld.idx.msk [tilespmem:v19+s2+$0x0], $0xffff  }
0x39: {  	v21 =	vand.u32 $0x3FFF, v20  }
0x3a: {  	v22 =	vld [tilespmem:$0x40B0];
	_ =	sdelay $0x2  }
0x3b: {  	[tilespmem:$0x4290] =	vst v0  }
0x3c: {  	v0 =	vld.idx.msk [tilespmem:v21+s2+$0x0], $0xffff  }
0x3d: {  	v23 =	vand.u32 $0x3FFF, v22  }
0x3e: {  	v24 =	vld [tilespmem:$0x40C0];
	_ =	sdelay $0x2  }
0x3f: {  	[tilespmem:$0x42A0] =	vst v0  }
0x40: {  	v0 =	vld.idx.msk [tilespmem:v23+s2+$0x0], $0xffff  }
0x41: {  	v25 =	vand.u32 $0x3FFF, v24  }
0x42: {  	v26 =	vld [tilespmem:$0x40D0];
	_ =	sdelay $0x2  }
0x43: {  	[tilespmem:$0x42B0] =	vst v0  }
0x44: {  	v0 =	vld.idx.msk [tilespmem:v25+s2+$0x0], $0xffff  }
0x45: {  	v27 =	vand.u32 $0x3FFF, v26  }
0x46: {  	v28 =	vld [tilespmem:$0x40E0];
	_ =	sdelay $0x2  }
0x47: {  	[tilespmem:$0x42C0] =	vst v0  }
0x48: {  	v0 =	vld.idx.msk [tilespmem:v27+s2+$0x0], $0xffff  }
0x49: {  	v29 =	vand.u32 $0x3FFF, v28  }
0x4a: {  	v30 =	vld [tilespmem:$0x40F0];
	_ =	sdelay $0x2  }
0x4b: {  	[tilespmem:$0x42D0] =	vst v0  }
0x4c: {  	v0 =	vld.idx.msk [tilespmem:v29+s2+$0x0], $0xffff  }
0x4d: {  	v31 =	vand.u32 $0x3FFF, v30  }
0x4e: {  	v32 =	vld [tilespmem:$0x4100];
	_ =	sdelay $0x2  }
0x4f: {  	[tilespmem:$0x42E0] =	vst v0  }
0x50: {  	v0 =	vld.idx.msk [tilespmem:v31+s2+$0x0], $0xffff  }
0x51: {  	v33 =	vand.u32 $0x3FFF, v32  }
0x52: {  	v34 =	vld [tilespmem:$0x4110];
	_ =	sdelay $0x2  }
0x53: {  	[tilespmem:$0x42F0] =	vst v0  }
0x54: {  	v0 =	vld.idx.msk [tilespmem:v33+s2+$0x0], $0xffff  }
0x55: {  	v35 =	vand.u32 $0x3FFF, v34  }
0x56: {  	v36 =	vld [tilespmem:$0x4120];
	_ =	sdelay $0x2  }
0x57: {  	[tilespmem:$0x4300] =	vst v0  }
0x58: {  	v0 =	vld.idx.msk [tilespmem:v35+s2+$0x0], $0xffff  }
0x59: {  	v37 =	vand.u32 $0x3FFF, v36  }
0x5a: {  	v38 =	vld [tilespmem:$0x4130];
	_ =	sdelay $0x2  }
0x5b: {  	[tilespmem:$0x4310] =	vst v0  }
0x5c: {  	v0 =	vld.idx.msk [tilespmem:v37+s2+$0x0], $0xffff  }
0x5d: {  	v39 =	vand.u32 $0x3FFF, v38  }
0x5e: {  	v40 =	vld [tilespmem:$0x4140];
	_ =	sdelay $0x2  }
0x5f: {  	[tilespmem:$0x4320] =	vst v0  }
0x60: {  	v0 =	vld.idx.msk [tilespmem:v39+s2+$0x0], $0xffff  }
0x61: {  	v41 =	vand.u32 $0x3FFF, v40  }
0x62: {  	v42 =	vld [tilespmem:$0x4150];
	_ =	sdelay $0x2  }
0x63: {  	[tilespmem:$0x4330] =	vst v0  }
0x64: {  	v0 =	vld.idx.msk [tilespmem:v41+s2+$0x0], $0xffff  }
0x65: {  	v43 =	vand.u32 $0x3FFF, v42  }
0x66: {  	v44 =	vld [tilespmem:$0x4160];
	_ =	sdelay $0x2  }
0x67: {  	[tilespmem:$0x4340] =	vst v0  }
0x68: {  	v0 =	vld.idx.msk [tilespmem:v43+s2+$0x0], $0xffff  }
0x69: {  	v45 =	vand.u32 $0x3FFF, v44  }
0x6a: {  	v46 =	vld [tilespmem:$0x4170];
	_ =	sdelay $0x2  }
0x6b: {  	[tilespmem:$0x4350] =	vst v0  }
0x6c: {  	v0 =	vld.idx.msk [tilespmem:v45+s2+$0x0], $0xffff  }
0x6d: {  	v47 =	vand.u32 $0x3FFF, v46  }
0x6e: {  	v48 =	vld [tilespmem:$0x4180];
	_ =	sdelay $0x2  }
0x6f: {  	[tilespmem:$0x4360] =	vst v0  }
0x70: {  	v0 =	vld.idx.msk [tilespmem:v47+s2+$0x0], $0xffff  }
0x71: {  	v49 =	vand.u32 $0x3FFF, v48  }
0x72: {  	v50 =	vld [tilespmem:$0x4190];
	_ =	sdelay $0x2  }
0x73: {  	[tilespmem:$0x4370] =	vst v0  }
0x74: {  	v0 =	vld.idx.msk [tilespmem:v49+s2+$0x0], $0xffff  }
0x75: {  	v51 =	vand.u32 $0x3FFF, v50  }
0x76: {  	v52 =	vld [tilespmem:$0x41A0];
	_ =	sdelay $0x2  }
0x77: {  	[tilespmem:$0x4380] =	vst v0  }
0x78: {  	v0 =	vld.idx.msk [tilespmem:v51+s2+$0x0], $0xffff  }
0x79: {  	v53 =	vand.u32 $0x3FFF, v52  }
0x7a: {  	v54 =	vld [tilespmem:$0x41B0];
	_ =	sdelay $0x2  }
0x7b: {  	[tilespmem:$0x4390] =	vst v0  }
0x7c: {  	v0 =	vld.idx.msk [tilespmem:v53+s2+$0x0], $0xffff  }
0x7d: {  	v55 =	vand.u32 $0x3FFF, v54  }
0x7e: {  	v56 =	vld [tilespmem:$0x41C0];
	_ =	sdelay $0x2  }
0x7f: {  	[tilespmem:$0x43A0] =	vst v0  }
0x80: {  	v0 =	vld.idx.msk [tilespmem:v55+s2+$0x0], $0xffff  }
0x81: {  	v57 =	vand.u32 $0x3FFF, v56  }
0x82: {  	v58 =	vld [tilespmem:$0x41D0];
	_ =	sdelay $0x2  }
0x83: {  	[tilespmem:$0x43B0] =	vst v0  }
0x84: {  	v0 =	vld.idx.msk [tilespmem:v57+s2+$0x0], $0xffff  }
0x85: {  	v59 =	vand.u32 $0x3FFF, v58  }
0x86: {  	v60 =	vld [tilespmem:$0x41E0];
	_ =	sdelay $0x2  }
0x87: {  	[tilespmem:$0x43C0] =	vst v0  }
0x88: {  	v0 =	vld.idx.msk [tilespmem:v59+s2+$0x0], $0xffff  }
0x89: {  	v61 =	vand.u32 $0x3FFF, v60  }
0x8a: {  	v62 =	vld [tilespmem:$0x41F0];
	_ =	sdelay $0x2  }
0x8b: {  	[tilespmem:$0x43D0] =	vst v0  }
0x8c: {  	v0 =	vld.idx.msk [tilespmem:v61+s2+$0x0], $0xffff  }
0x8d: {  	v63 =	vand.u32 $0x3FFF, v62;
	_ =	sdelay $0x3  }
0x8e: {  	s29 =	ssub.s32 $0x2, s11;
	[tilespmem:$0x43E0] =	vst v0  }
0x8f: {  	s10 =	sshll.u32 s10, $0x9;
	s31 =	sshrl.u32 s29, $0x1;
	v0 =	vld.idx.msk [tilespmem:v63+s2+$0x0], $0xffff  }
0x90: {  	s9 =	sadd.s32 s10, s9;
	s10 =	ssub.s32 s29, s31  }
0x91: {  	s30 =	sshll.u32 s12, $0x4;
	s12 =	smax.u32 s10, $0x1  }
0x92: {  	p0 =	sne.s32 s12, $0x1  }
.Ltmp0:
0x93: {  	s9 =	sadd.s32 s30, s9;
	(pc) =	sbr.rel @!p0 .LBB2_2-.Ltmp0, $4  }
0x94: {  	s11 =	simm.s32 $0x4200;
	s10 =	simm.s32 $0x400;
	s9 =	sadd.s32 $0x11800, s9;
	[tilespmem:$0x43F0] =	vst v0  }
0x95: {  	[hbm4b:s9+s4] =	stream.strided.scatter [tilespmem:s11], [sflag:$0x1], $0x200, s10, s4, $0x38;
	[tilespmem:$0x4400] =	vst v63  }
0x96: {  	_ =	swait.ge [sflag:s6], $0x200  }
0x97: {  	s12 =	sadd.s32 $0xFFFFFFFF, s12;
	[sflag:s6] =	ssyncset.done $0x0  }
.LBB2_1:
0x98: {  	p0 =	sne.s32 s12, $0x1;
	s12 =	sadd.s32 $0xFFFFFFFF, s12;
	[sflag:s6] =	ssyncadd.s32 $0xFFFFFE00  }
0x99: {  	[tilespmem:s7], [sflag:$0x1] =	stream.strided.gather [hbm4b:s3+s4], $0x200, s5, s4, $0x38;
	[tilespmem:$0x4400] =	vst v63  }
0x9a: {  	_ =	swait.ge [sflag:s6], $0x200  }
0x9b: {  	[sflag:s6] =	ssyncset.done $0x0  }
0x9c: {  	[sflag:s6] =	ssyncadd.s32 $0xFFFFFE00  }
0x9d: {  	[tilespmem:s2], [sflag:$0x1] =	stream.linear.gather [hbm4b:s8+s2], $0x4000, $0x38;
	[tilespmem:$0x4400] =	vst v63  }
0x9e: {  	_ =	swait.ge [sflag:s6], $0x4000  }
0x9f: {  	[sflag:s6] =	ssyncset.done $0x0  }
0xa0: {  	[sflag:s6] =	ssyncadd.s32 $0xFFFFC000  }
0xa1: {  	v0 =	vld [tilespmem:$0x4000]  }
0xa2: {  	v1 =	vld [tilespmem:$0x4010]  }
0xa3: {  	v2 =	vld [tilespmem:$0x4020]  }
0xa4: {  	v3 =	vld [tilespmem:$0x4030]  }
0xa5: {  	v19 =	vld [tilespmem:$0x4040]  }
0xa6: {  	v0 =	vand.u32 $0x3FFF, v0;
	v20 =	vld [tilespmem:$0x4050]  }
0xa7: {  	v21 =	vld [tilespmem:$0x4060]  }
0xa8: {  	v22 =	vld [tilespmem:$0x4070]  }
0xa9: {  	v23 =	vld [tilespmem:$0x4080]  }
0xaa: {  	v24 =	vld [tilespmem:$0x4090]  }
0xab: {  	v0 =	vld.idx.msk [tilespmem:v0+s2+$0x0], $0xffff  }
0xac: {  	v25 =	vld [tilespmem:$0x40A0]  }
0xad: {  	v1 =	vand.u32 $0x3FFF, v1;
	v26 =	vld [tilespmem:$0x40B0]  }
0xae: {  	v27 =	vld [tilespmem:$0x40C0]  }
0xaf: {  	v18 =	vld [tilespmem:$0x40D0]  }
0xb0: {  	v17 =	vld [tilespmem:$0x40E0]  }
0xb1: {  	[tilespmem:$0x4200] =	vst v0;
	v16 =	vld [tilespmem:$0x40F0]  }
0xb2: {  	v0 =	vld.idx.msk [tilespmem:v1+s2+$0x0], $0xffff  }
0xb3: {  	v15 =	vld [tilespmem:$0x4100]  }
0xb4: {  	v1 =	vand.u32 $0x3FFF, v2;
	v14 =	vld [tilespmem:$0x4110]  }
0xb5: {  	v13 =	vld [tilespmem:$0x4120]  }
0xb6: {  	v12 =	vld [tilespmem:$0x4130]  }
0xb7: {  	v11 =	vld [tilespmem:$0x4140]  }
0xb8: {  	[tilespmem:$0x4210] =	vst v0;
	v10 =	vld [tilespmem:$0x4150]  }
0xb9: {  	v0 =	vld.idx.msk [tilespmem:v1+s2+$0x0], $0xffff  }
0xba: {  	v9 =	vld [tilespmem:$0x4160]  }
0xbb: {  	v1 =	vand.u32 $0x3FFF, v3;
	v8 =	vld [tilespmem:$0x4170]  }
0xbc: {  	v7 =	vld [tilespmem:$0x4180]  }
0xbd: {  	v6 =	vld [tilespmem:$0x4190]  }
0xbe: {  	v5 =	vld [tilespmem:$0x41A0]  }
0xbf: {  	[tilespmem:$0x4220] =	vst v0;
	v4 =	vld [tilespmem:$0x41B0]  }
0xc0: {  	v28 =	vld.idx.msk [tilespmem:v1+s2+$0x0], $0xffff  }
0xc1: {  	v3 =	vld [tilespmem:$0x41C0]  }
0xc2: {  	v19 =	vand.u32 $0x3FFF, v19;
	v2 =	vld [tilespmem:$0x41D0]  }
0xc3: {  	v1 =	vld [tilespmem:$0x41E0]  }
0xc4: {  	v0 =	vld [tilespmem:$0x41F0];
	_ =	sdelay $0x1  }
0xc5: {  	[tilespmem:$0x4230] =	vst v28  }
0xc6: {  	v19 =	vld.idx.msk [tilespmem:v19+s2+$0x0], $0xffff;
	_ =	sdelay $0x1  }
0xc7: {  	v20 =	vand.u32 $0x3FFF, v20;
	_ =	sdelay $0x3  }
0xc8: {  	[tilespmem:$0x4240] =	vst v19  }
0xc9: {  	v19 =	vld.idx.msk [tilespmem:v20+s2+$0x0], $0xffff;
	_ =	sdelay $0x1  }
0xca: {  	v20 =	vand.u32 $0x3FFF, v21;
	_ =	sdelay $0x3  }
0xcb: {  	[tilespmem:$0x4250] =	vst v19  }
0xcc: {  	v19 =	vld.idx.msk [tilespmem:v20+s2+$0x0], $0xffff;
	_ =	sdelay $0x1  }
0xcd: {  	v20 =	vand.u32 $0x3FFF, v22;
	_ =	sdelay $0x3  }
0xce: {  	[tilespmem:$0x4260] =	vst v19  }
0xcf: {  	v19 =	vld.idx.msk [tilespmem:v20+s2+$0x0], $0xffff;
	_ =	sdelay $0x1  }
0xd0: {  	v20 =	vand.u32 $0x3FFF, v23;
	_ =	sdelay $0x3  }
0xd1: {  	[tilespmem:$0x4270] =	vst v19  }
0xd2: {  	v19 =	vld.idx.msk [tilespmem:v20+s2+$0x0], $0xffff;
	_ =	sdelay $0x1  }
0xd3: {  	v20 =	vand.u32 $0x3FFF, v24;
	_ =	sdelay $0x3  }
0xd4: {  	[tilespmem:$0x4280] =	vst v19  }
0xd5: {  	v19 =	vld.idx.msk [tilespmem:v20+s2+$0x0], $0xffff;
	_ =	sdelay $0x1  }
0xd6: {  	v20 =	vand.u32 $0x3FFF, v25;
	_ =	sdelay $0x3  }
0xd7: {  	[tilespmem:$0x4290] =	vst v19  }
0xd8: {  	v19 =	vld.idx.msk [tilespmem:v20+s2+$0x0], $0xffff;
	_ =	sdelay $0x1  }
0xd9: {  	v20 =	vand.u32 $0x3FFF, v26;
	_ =	sdelay $0x3  }
0xda: {  	[tilespmem:$0x42A0] =	vst v19  }
0xdb: {  	v19 =	vld.idx.msk [tilespmem:v20+s2+$0x0], $0xffff;
	_ =	sdelay $0x1  }
0xdc: {  	v20 =	vand.u32 $0x3FFF, v27;
	_ =	sdelay $0x3  }
0xdd: {  	[tilespmem:$0x42B0] =	vst v19  }
0xde: {  	v19 =	vld.idx.msk [tilespmem:v20+s2+$0x0], $0xffff;
	_ =	sdelay $0x1  }
0xdf: {  	v18 =	vand.u32 $0x3FFF, v18;
	_ =	sdelay $0x3  }
0xe0: {  	[tilespmem:$0x42C0] =	vst v19  }
0xe1: {  	v18 =	vld.idx.msk [tilespmem:v18+s2+$0x0], $0xffff;
	_ =	sdelay $0x1  }
0xe2: {  	v17 =	vand.u32 $0x3FFF, v17;
	_ =	sdelay $0x3  }
0xe3: {  	[tilespmem:$0x42D0] =	vst v18  }
0xe4: {  	v17 =	vld.idx.msk [tilespmem:v17+s2+$0x0], $0xffff;
	_ =	sdelay $0x1  }
0xe5: {  	v16 =	vand.u32 $0x3FFF, v16;
	_ =	sdelay $0x3  }
0xe6: {  	[tilespmem:$0x42E0] =	vst v17  }
0xe7: {  	v16 =	vld.idx.msk [tilespmem:v16+s2+$0x0], $0xffff;
	_ =	sdelay $0x1  }
0xe8: {  	v15 =	vand.u32 $0x3FFF, v15;
	_ =	sdelay $0x3  }
0xe9: {  	[tilespmem:$0x42F0] =	vst v16  }
0xea: {  	v15 =	vld.idx.msk [tilespmem:v15+s2+$0x0], $0xffff;
	_ =	sdelay $0x1  }
0xeb: {  	v14 =	vand.u32 $0x3FFF, v14;
	_ =	sdelay $0x3  }
0xec: {  	[tilespmem:$0x4300] =	vst v15  }
0xed: {  	v14 =	vld.idx.msk [tilespmem:v14+s2+$0x0], $0xffff;
	_ =	sdelay $0x1  }
0xee: {  	v13 =	vand.u32 $0x3FFF, v13;
	_ =	sdelay $0x3  }
0xef: {  	[tilespmem:$0x4310] =	vst v14  }
0xf0: {  	v13 =	vld.idx.msk [tilespmem:v13+s2+$0x0], $0xffff;
	_ =	sdelay $0x1  }
0xf1: {  	v12 =	vand.u32 $0x3FFF, v12;
	_ =	sdelay $0x3  }
0xf2: {  	[tilespmem:$0x4320] =	vst v13  }
0xf3: {  	v12 =	vld.idx.msk [tilespmem:v12+s2+$0x0], $0xffff;
	_ =	sdelay $0x1  }
0xf4: {  	v11 =	vand.u32 $0x3FFF, v11;
	_ =	sdelay $0x3  }
0xf5: {  	[tilespmem:$0x4330] =	vst v12  }
0xf6: {  	v11 =	vld.idx.msk [tilespmem:v11+s2+$0x0], $0xffff;
	_ =	sdelay $0x1  }
0xf7: {  	v10 =	vand.u32 $0x3FFF, v10;
	_ =	sdelay $0x3  }
0xf8: {  	[tilespmem:$0x4340] =	vst v11  }
0xf9: {  	v10 =	vld.idx.msk [tilespmem:v10+s2+$0x0], $0xffff;
	_ =	sdelay $0x1  }
0xfa: {  	v9 =	vand.u32 $0x3FFF, v9;
	_ =	sdelay $0x3  }
0xfb: {  	[tilespmem:$0x4350] =	vst v10  }
0xfc: {  	v9 =	vld.idx.msk [tilespmem:v9+s2+$0x0], $0xffff;
	_ =	sdelay $0x1  }
0xfd: {  	v8 =	vand.u32 $0x3FFF, v8;
	_ =	sdelay $0x3  }
0xfe: {  	[tilespmem:$0x4360] =	vst v9  }
0xff: {  	v8 =	vld.idx.msk [tilespmem:v8+s2+$0x0], $0xffff;
	_ =	sdelay $0x1  }
0x100: {  	v7 =	vand.u32 $0x3FFF, v7;
	_ =	sdelay $0x3  }
0x101: {  	[tilespmem:$0x4370] =	vst v8  }
0x102: {  	v7 =	vld.idx.msk [tilespmem:v7+s2+$0x0], $0xffff;
	_ =	sdelay $0x1  }
0x103: {  	v6 =	vand.u32 $0x3FFF, v6;
	_ =	sdelay $0x3  }
0x104: {  	[tilespmem:$0x4380] =	vst v7  }
0x105: {  	v6 =	vld.idx.msk [tilespmem:v6+s2+$0x0], $0xffff;
	_ =	sdelay $0x1  }
0x106: {  	v5 =	vand.u32 $0x3FFF, v5;
	_ =	sdelay $0x3  }
0x107: {  	[tilespmem:$0x4390] =	vst v6  }
0x108: {  	v5 =	vld.idx.msk [tilespmem:v5+s2+$0x0], $0xffff;
	_ =	sdelay $0x1  }
0x109: {  	v4 =	vand.u32 $0x3FFF, v4;
	_ =	sdelay $0x3  }
0x10a: {  	[tilespmem:$0x43A0] =	vst v5  }
0x10b: {  	v4 =	vld.idx.msk [tilespmem:v4+s2+$0x0], $0xffff;
	_ =	sdelay $0x1  }
0x10c: {  	v3 =	vand.u32 $0x3FFF, v3;
	_ =	sdelay $0x3  }
0x10d: {  	[tilespmem:$0x43B0] =	vst v4  }
0x10e: {  	v3 =	vld.idx.msk [tilespmem:v3+s2+$0x0], $0xffff;
	_ =	sdelay $0x1  }
0x10f: {  	v2 =	vand.u32 $0x3FFF, v2;
	_ =	sdelay $0x3  }
0x110: {  	[tilespmem:$0x43C0] =	vst v3  }
0x111: {  	v2 =	vld.idx.msk [tilespmem:v2+s2+$0x0], $0xffff;
	_ =	sdelay $0x1  }
0x112: {  	v1 =	vand.u32 $0x3FFF, v1;
	_ =	sdelay $0x3  }
0x113: {  	[tilespmem:$0x43D0] =	vst v2  }
0x114: {  	v1 =	vld.idx.msk [tilespmem:v1+s2+$0x0], $0xffff;
	_ =	sdelay $0x1  }
0x115: {  	v0 =	vand.u32 $0x3FFF, v0;
	_ =	sdelay $0x3  }
0x116: {  	[tilespmem:$0x43E0] =	vst v1  }
0x117: {  	v0 =	vld.idx.msk [tilespmem:v0+s2+$0x0], $0xffff;
	_ =	sdelay $0x4  }
.Ltmp1:
0x118: {  	(pc) =	sbr.rel @p0 .LBB2_1-.Ltmp1, $4  }
0x119: {  	[tilespmem:$0x43F0] =	vst v0  }
0x11a: {  	[hbm4b:s9+s4] =	stream.strided.scatter [tilespmem:s11], [sflag:$0x1], $0x200, s10, s4, $0x38;
	[tilespmem:$0x4400] =	vst v63  }
0x11b: {  	_ =	swait.ge [sflag:s6], $0x200  }
0x11c: {  	[sflag:s6] =	ssyncset.done $0x0  }
.LBB2_2:
0x11d: {  	[sflag:s6] =	ssyncadd.s32 $0xFFFFFE00  }
0x11e: {  	_ =	sfence.sel $0x180000  }
0x11f: {  	[bflag:$0x0] =	sbarrier.arrive $0xFFFF  }
0x120: {  	p0 =	sne.s32 s1, $0x0;
	_ =	strace $0x90000047  }
0x121: {  	s0 =	sadd.s32 @!p0 $0x100000, s0;
	[bflag:$0x2] =	sbarrier.arrive $0xFFFF  }
0x122: {  	[sflag:s0] =	ssyncadd.tile.s32 @!p0 $0x1;
	_ =	shalt  }
.Lfunc_end2:
_tile_overlayer_lowered:
.L_overlay_start_2:
0x123: {  	(tag) =	ssettag $0x2  }
0x124: {  	s0 =	rddreg [dreg:$0x0];
	s2 =	stileid.u32  }
0x125: {  	s1 =	rddreg [dreg:$0x1];
	p0 =	sne.s32 s2, $0x0  }
0x126: {  	s3 =	rddreg [dreg:$0x2];
	[bflag:$0x3] =	sbarrier.arrive $0xFFFF;
	s2 =	simm.s32 @!p0 $0x1C01  }
0x127: {  	[timem:s3], [sflag:s2] =	dma.local @!p0 [hbm:s0], s1  }
0x128: {  	s0 =	simm.s32 @!p0 $0x1  }
0x129: {  	_ =	swait.ge @!p0 [sflag:s0], s1  }
0x12a: {  	s1 =	ssub.s32 @!p0 $0x0, s1;
	[sflag:s0] =	ssyncset.done @!p0 $0x0  }
0x12b: {  	[sflag:s0] =	ssyncadd.s32 @!p0 s1  }
0x12c: {  	[bflag:$0x3] =	sbarrier.arrive $0xFFFF  }
0x12d: {  	_ =	shalt  }

</sc_bundles>
